<compile_context>
chip_gen: v7x
topology: tpu7x:2x2x1
jax: 0.10.2.dev20260603
libtpu: 0.0.44.dev20260713+nightly
codegen_flags: <defaults>
</compile_context>

<pallas_src>
import jax
import jax.numpy as jnp
from jax import lax
from jax.experimental import pallas as pl
from jax.experimental.pallas import tpu as pltpu
from jax.experimental.pallas import tpu_sc as plsc

D_MODEL = 768
D_FF = 1024
N_EXP = 64
CAP = 160
N_TOK = 2048
N_SLOT = N_EXP * CAP

NW = 32
TOKS_PER_W = N_TOK // NW


def _gate_body(x_ref, gw_ref, gb_ref, slot_ref, cnt_ref):
    x = x_ref[...]
    gw = gw_ref[...]
    logits = lax.dot_general(x, gw, (((1,), (1,)), ((), ())),
                             preferred_element_type=jnp.float32)
    logits = logits + gb_ref[...]
    m = jnp.max(logits, axis=1, keepdims=True)
    lane = lax.broadcasted_iota(jnp.int32, (N_TOK, N_EXP), 1)
    eid = jnp.min(jnp.where(logits == m, lane, N_EXP), axis=1, keepdims=True)
    onehot = (lane == eid)
    oh_b = onehot.astype(jnp.bfloat16)
    CH = 256
    r_i = lax.broadcasted_iota(jnp.int32, (CH, CH), 0)
    c_i = lax.broadcasted_iota(jnp.int32, (CH, CH), 1)
    tri = (c_i < r_i).astype(jnp.bfloat16)
    csum_parts = []
    carry = jnp.zeros((1, N_EXP), jnp.float32)
    for j in range(N_TOK // CH):
        blk = oh_b[j * CH:(j + 1) * CH]
        local = lax.dot_general(tri, blk, (((1,), (0,)), ((), ())),
                                preferred_element_type=jnp.float32)
        csum_parts.append(local + carry)
        carry = carry + jnp.sum(blk.astype(jnp.float32), axis=0, keepdims=True)
    csum = jnp.concatenate(csum_parts, axis=0)
    rank = jnp.sum(jnp.where(onehot, csum, 0.0), axis=1, keepdims=True)
    rank = rank.astype(jnp.int32)
    counts = carry
    cnt_ref[...] = counts.astype(jnp.int32)
    cmin = jnp.min(counts, axis=1, keepdims=True)
    elane = lax.broadcasted_iota(jnp.int32, (1, N_EXP), 1)
    emin = jnp.min(jnp.where(counts == cmin, elane, N_EXP), axis=1,
                   keepdims=True)
    trash = emin * CAP + (CAP - 1)
    kept = rank < CAP
    slot = jnp.where(kept, eid * CAP + rank, trash)
    slot_ref[...] = slot.reshape(N_TOK)


def _gate_call(xf, gate_W, gate_b):
    return pl.pallas_call(
        _gate_body,
        out_shape=[
            jax.ShapeDtypeStruct((N_TOK,), jnp.int32),
            jax.ShapeDtypeStruct((1, N_EXP), jnp.int32),
        ],
    )(xf, gate_W, gate_b.reshape(1, N_EXP))


def _dispatch_body(slot_hbm, x_hbm, xg_hbm, idx0_v, rows0_v, sem):
    wid = lax.axis_index("s") * 2 + lax.axis_index("c")
    base = wid * TOKS_PER_W
    pltpu.sync_copy(slot_hbm.at[pl.ds(base, TOKS_PER_W)], idx0_v)
    pltpu.sync_copy(x_hbm.at[pl.ds(base, TOKS_PER_W)], rows0_v)
    pltpu.async_copy(rows0_v, xg_hbm.at[idx0_v], sem).wait()


def _dispatch_call(slot, xf):
    mesh = plsc.VectorSubcoreMesh(core_axis_name="c", subcore_axis_name="s")
    return pl.kernel(
        _dispatch_body,
        out_type=jax.ShapeDtypeStruct((N_SLOT, D_MODEL), jnp.float32),
        mesh=mesh,
        compiler_params=pltpu.CompilerParams(needs_layout_passes=False),
        scratch_types=[
            pltpu.VMEM((TOKS_PER_W,), jnp.int32),
            pltpu.VMEM((TOKS_PER_W, D_MODEL), jnp.float32),
            pltpu.SemaphoreType.DMA,
        ],
    )(slot, xf)


def _ffn_body(cnt_ref, xg_ref, wu_ref, wd_ref, out_ref):
    e = pl.program_id(0)
    xb = xg_ref[...]
    wu = wu_ref[0]
    h = lax.dot_general(xb, wu, (((1,), (1,)), ((), ())),
                        preferred_element_type=jnp.float32)
    u = h[:, :D_FF]
    g = h[:, D_FF:]
    act = u * g * (1.0 / (1.0 + jnp.exp(-g)))
    wd = wd_ref[0]
    y = lax.dot_general(act, wd, (((1,), (1,)), ((), ())),
                        preferred_element_type=jnp.float32)
    cnt = cnt_ref[e]
    rmask = lax.broadcasted_iota(jnp.int32, (CAP, 1), 0) < cnt
    out_ref[...] = jnp.where(rmask, y, 0.0)


def _ffn_call(counts, xg, W_up, W_down):
    grid_spec = pltpu.PrefetchScalarGridSpec(
        num_scalar_prefetch=1,
        grid=(N_EXP,),
        in_specs=[
            pl.BlockSpec((CAP, D_MODEL), lambda e, c: (e, 0)),
            pl.BlockSpec((1, 2 * D_FF, D_MODEL), lambda e, c: (e, 0, 0)),
            pl.BlockSpec((1, D_MODEL, D_FF), lambda e, c: (e, 0, 0)),
        ],
        out_specs=pl.BlockSpec((CAP, D_MODEL), lambda e, c: (e, 0)),
    )
    return pl.pallas_call(
        _ffn_body,
        grid_spec=grid_spec,
        out_shape=jax.ShapeDtypeStruct((N_SLOT, D_MODEL), jnp.float32),
    )(counts, xg, W_up, W_down)


def _combine_body(ye_hbm, slot_hbm, y_hbm, idx0_v, idx1_v, rows0_v, rows1_v,
                  gsem, wsem):
    wid = lax.axis_index("s") * 2 + lax.axis_index("c")
    base = wid * TOKS_PER_W
    H = TOKS_PER_W // 2
    idxs = [idx0_v, idx1_v]
    rows = [rows0_v, rows1_v]
    gcp = [None, None]
    wcp = [None, None]
    for k in range(2):
        pltpu.sync_copy(slot_hbm.at[pl.ds(base + k * H, H)], idxs[k])
        gcp[k] = pltpu.async_copy(ye_hbm.at[idxs[k]], rows[k], gsem.at[k])
    for k in range(2):
        gcp[k].wait()
        wcp[k] = pltpu.async_copy(rows[k], y_hbm.at[pl.ds(base + k * H, H)],
                                  wsem.at[k])
    wcp[0].wait()
    wcp[1].wait()


def _combine_call(ye, slot):
    mesh = plsc.VectorSubcoreMesh(core_axis_name="c", subcore_axis_name="s")
    return pl.kernel(
        _combine_body,
        out_type=jax.ShapeDtypeStruct((N_TOK, D_MODEL), jnp.float32),
        mesh=mesh,
        compiler_params=pltpu.CompilerParams(needs_layout_passes=False),
        scratch_types=[
            pltpu.VMEM((TOKS_PER_W // 2,), jnp.int32),
            pltpu.VMEM((TOKS_PER_W // 2,), jnp.int32),
            pltpu.VMEM((TOKS_PER_W // 2, D_MODEL), jnp.float32),
            pltpu.VMEM((TOKS_PER_W // 2, D_MODEL), jnp.float32),
            pltpu.SemaphoreType.DMA((2,)),
            pltpu.SemaphoreType.DMA((2,)),
        ],
    )(ye, slot)


@jax.jit
def kernel(x, W_up, W_down, gate_W, gate_b):
    B, T, D = x.shape
    xf = x.reshape(-1, D)
    slot, cnt2d = _gate_call(xf, gate_W, gate_b)
    counts = cnt2d.reshape(-1)
    xg = _dispatch_call(slot, xf)
    ye = _ffn_call(counts, xg, W_up, W_down)
    y = _combine_call(ye, slot)
    return y.reshape(B, T, D)

# --- scband reference (transcript-rebuilt; emitter-appended) ---
"""Pipeline reference for scband-token-choice-mo-e-70033736728863 (READ-ONLY COPY).

The authoritative reference and input builder live on the scoring server;
editing this copy changes nothing except your own understanding.
"""

import jax, jax.numpy as jnp
import numpy as np

D_MODEL = 768
D_FF = 1024
N_EXPERTS = 64
TOP_K = 1
CAP = 160  # per-expert capacity; expected load = 2048*1/64 = 32 tokens, 5x safety margin


def setup_inputs(seed: int = 0):
    key = jax.random.key(seed)
    ks = jax.random.split(key, 5)
    x = jax.random.normal(ks[0], (1, 2048, D_MODEL), dtype=jnp.float32)
    s_in = 1.0 / np.sqrt(D_MODEL)
    s_ff = 1.0 / np.sqrt(D_FF)
    # torch nn.Linear weight layout: up.weight (2*d_ff, d_model), down.weight (d_model, d_ff)
    W_up = jax.random.uniform(ks[1], (N_EXPERTS, 2 * D_FF, D_MODEL), dtype=jnp.float32, minval=-s_in, maxval=s_in)
    W_down = jax.random.uniform(ks[2], (N_EXPERTS, D_MODEL, D_FF), dtype=jnp.float32, minval=-s_ff, maxval=s_ff)
    gate_W = jax.random.uniform(ks[3], (N_EXPERTS, D_MODEL), dtype=jnp.float32, minval=-s_in, maxval=s_in)
    gate_b = jax.random.uniform(ks[4], (N_EXPERTS,), dtype=jnp.float32, minval=-s_in, maxval=s_in)
    return {"x": x, "W_up": W_up, "W_down": W_down, "gate_W": gate_W, "gate_b": gate_b}


def reference(x, W_up, W_down, gate_W, gate_b):
    B, T, D = x.shape
    xf = x.reshape(-1, D)
    N = B * T
    logits = xf @ gate_W.T + gate_b                       # (N, E)
    topv, topi = jax.lax.top_k(logits, TOP_K)             # (N, K)
    weights = jax.nn.softmax(topv, axis=-1)               # (N, K)
    assign = topi.reshape(-1)                             # (N*K,) expert id per assignment
    tok = jnp.repeat(jnp.arange(N), TOP_K)                # (N*K,) source token per assignment
    w_flat = weights.reshape(-1)                          # (N*K,)
    # capacity-based dispatch: sort assignments by expert, gather into (E, CAP) slots
    order = jnp.argsort(assign)
    counts = jnp.bincount(assign, length=N_EXPERTS)
    offsets = jnp.cumsum(counts) - counts
    slot = offsets[:, None] + jnp.arange(CAP)[None, :]    # (E, CAP)
    valid = (jnp.arange(CAP)[None, :] < counts[:, None])
    slot_c = jnp.clip(slot, 0, N * TOP_K - 1)
    pos = order[slot_c]                                   # (E, CAP) assignment index
    tok_idx = tok[pos]                                    # (E, CAP) token index
    vmask = valid.astype(xf.dtype)
    xg = xf[tok_idx] * vmask[..., None]                   # (E, CAP, D) gathered tokens
    # SwiGLU expert FFN, batched over experts
    h = jnp.einsum('ecd,efd->ecf', xg, W_up)              # (E, CAP, 2*D_FF)
    u, g = jnp.split(h, 2, axis=-1)
    act = jax.nn.silu(g) * u
    ye = jnp.einsum('ecf,edf->ecd', act, W_down)          # (E, CAP, D)
    wg = w_flat[pos] * vmask                              # (E, CAP) combine weights
    contrib = ye * wg[..., None]
    y = jnp.zeros_like(xf).at[tok_idx.reshape(-1)].add(contrib.reshape(-1, D))
    return y.reshape(B, T, D)

if __name__ == "__main__":
    import jax
    _d = setup_inputs()
    print(jax.jit(kernel)(*tuple(_d.values())))

</pallas_src>

<mosaic_0001>
#map = affine_map<(d0, d1) -> (0)>
#map1 = affine_map<(d0, d1) -> (0, 0)>
module attributes {stable_mosaic.version = 14 : i64} {
  func.func @_dispatch_body(%arg0: i32, %arg1: i32, %arg2: memref<2048xi32, #tpu.memory_space<hbm>>, %arg3: memref<2048x768xf32, #tpu.memory_space<hbm>>, %arg4: memref<10240x768xf32, #tpu.memory_space<hbm>>, %arg5: memref<64xi32, #tpu.memory_space<vmem>>, %arg6: memref<64x768xf32, #tpu.memory_space<vmem>>, %arg7: memref<!tpu.dma_semaphore, #tpu.memory_space<semaphore_mem>>) attributes {dimension_semantics = [#tpu.dimension_semantics<core_parallel>, #tpu.dimension_semantics<subcore_parallel>], iteration_bounds = array<i64: 2, 16>, scalar_prefetch = 0 : i64, scratch_operands = 3 : i64, tpu.core_type = #tpu.core_type<sc_vector_subcore>, window_params = [{transform_indices = #map}, {transform_indices = #map1}, {transform_indices = #map1}]} {
    %mul3A = arith.constant 2 : i32
    %mul3A_0 = arith.muli %arg1, %mul3A : i32
    %add3A = arith.addi %mul3A_0, %arg0 : i32
    %mul3A_1 = arith.constant 64 : i32
    %mul3A_2 = arith.muli %add3A, %mul3A_1 : i32
    "tpu.region"() ({
      %run_scoped3A = tpu.sem_alloc : memref<!tpu.dma_semaphore, #tpu.memory_space<semaphore_mem>>
      %dma_start3A_7 = tpu.memref_slice %arg2[%mul3A_2] : memref<2048xi32, #tpu.memory_space<hbm>> -> memref<64xi32, #tpu.memory_space<hbm>>
      %dma_start3A_8 = tpu.memref_slice %arg2[%mul3A_2] : memref<2048xi32, #tpu.memory_space<hbm>> -> memref<64xi32, #tpu.memory_space<hbm>>
      tpu.enqueue_dma source(%dma_start3A_8 : memref<64xi32, #tpu.memory_space<hbm>>) target(%arg5 : memref<64xi32, #tpu.memory_space<vmem>>) target_semaphore(%run_scoped3A : memref<!tpu.dma_semaphore, #tpu.memory_space<semaphore_mem>>)
      %dma_wait3A_9 = tpu.memref_slice %arg2[%mul3A_2] : memref<2048xi32, #tpu.memory_space<hbm>> -> memref<64xi32, #tpu.memory_space<hbm>>
      %dma_wait3A_10 = tpu.memref_slice %arg2[%mul3A_2] : memref<2048xi32, #tpu.memory_space<hbm>> -> memref<64xi32, #tpu.memory_space<hbm>>
      tpu.wait_dma2 semaphore(%run_scoped3A : memref<!tpu.dma_semaphore, #tpu.memory_space<semaphore_mem>>) src(%dma_wait3A_10 : memref<64xi32, #tpu.memory_space<hbm>>) dst(%arg5 : memref<64xi32, #tpu.memory_space<vmem>>)
      tpu.yield
    }) : () -> ()
    "tpu.region"() ({
      %run_scoped3A = tpu.sem_alloc : memref<!tpu.dma_semaphore, #tpu.memory_space<semaphore_mem>>
      %dma_start3A_7 = arith.constant 0 : i32
      %dma_start3A_8 = tpu.memref_slice %arg3[%mul3A_2, %dma_start3A_7] : memref<2048x768xf32, #tpu.memory_space<hbm>> -> memref<64x768xf32, #tpu.memory_space<hbm>>
      %dma_start3A_9 = arith.constant 0 : i32
      %dma_start3A_10 = tpu.memref_slice %arg3[%mul3A_2, %dma_start3A_9] : memref<2048x768xf32, #tpu.memory_space<hbm>> -> memref<64x768xf32, #tpu.memory_space<hbm>>
      tpu.enqueue_dma source(%dma_start3A_10 : memref<64x768xf32, #tpu.memory_space<hbm>>) target(%arg6 : memref<64x768xf32, #tpu.memory_space<vmem>>) target_semaphore(%run_scoped3A : memref<!tpu.dma_semaphore, #tpu.memory_space<semaphore_mem>>)
      %dma_wait3A_11 = arith.constant 0 : i32
      %dma_wait3A_12 = tpu.memref_slice %arg3[%mul3A_2, %dma_wait3A_11] : memref<2048x768xf32, #tpu.memory_space<hbm>> -> memref<64x768xf32, #tpu.memory_space<hbm>>
      %dma_wait3A_13 = arith.constant 0 : i32
      %dma_wait3A_14 = tpu.memref_slice %arg3[%mul3A_2, %dma_wait3A_13] : memref<2048x768xf32, #tpu.memory_space<hbm>> -> memref<64x768xf32, #tpu.memory_space<hbm>>
      tpu.wait_dma2 semaphore(%run_scoped3A : memref<!tpu.dma_semaphore, #tpu.memory_space<semaphore_mem>>) src(%dma_wait3A_14 : memref<64x768xf32, #tpu.memory_space<hbm>>) dst(%arg6 : memref<64x768xf32, #tpu.memory_space<vmem>>)
      tpu.yield
    }) : () -> ()
    %dma_start3A = arith.constant 0 : i32
    %dma_start3A_3 = arith.constant 0 : i32
    %dma_start3A_4 = tpu.memref_slice %arg4[%dma_start3A, %dma_start3A_3] : memref<10240x768xf32, #tpu.memory_space<hbm>> -> memref<10240x768xf32, #tpu.memory_space<hbm>>
    tpu.enqueue_indirect_dma source(%arg6 : memref<64x768xf32, #tpu.memory_space<vmem>>) target(%dma_start3A_4 : memref<10240x768xf32, #tpu.memory_space<hbm>>) offsets(%arg5 : memref<64xi32, #tpu.memory_space<vmem>>) semaphore(%arg7 : memref<!tpu.dma_semaphore, #tpu.memory_space<semaphore_mem>>)
    %dma_wait3A = arith.constant 0 : i32
    %dma_wait3A_5 = arith.constant 0 : i32
    %dma_wait3A_6 = tpu.memref_slice %arg4[%dma_wait3A, %dma_wait3A_5] : memref<10240x768xf32, #tpu.memory_space<hbm>> -> memref<10240x768xf32, #tpu.memory_space<hbm>>
    tpu.wait_indirect_dma semaphore(%arg7 : memref<!tpu.dma_semaphore, #tpu.memory_space<semaphore_mem>>) src(%arg6 : memref<64x768xf32, #tpu.memory_space<vmem>>) dst(%dma_wait3A_6 : memref<10240x768xf32, #tpu.memory_space<hbm>>)
    return
  }
}

#map = affine_map<(d0, d1) -> (0, 0)>
#map1 = affine_map<(d0, d1) -> (0)>
module attributes {stable_mosaic.version = 14 : i64} {
  func.func @_combine_body(%arg0: i32, %arg1: i32, %arg2: memref<10240x768xf32, #tpu.memory_space<hbm>>, %arg3: memref<2048xi32, #tpu.memory_space<hbm>>, %arg4: memref<2048x768xf32, #tpu.memory_space<hbm>>, %arg5: memref<32xi32, #tpu.memory_space<vmem>>, %arg6: memref<32xi32, #tpu.memory_space<vmem>>, %arg7: memref<32x768xf32, #tpu.memory_space<vmem>>, %arg8: memref<32x768xf32, #tpu.memory_space<vmem>>, %arg9: memref<2x!tpu.dma_semaphore, #tpu.memory_space<semaphore_mem>>, %arg10: memref<2x!tpu.dma_semaphore, #tpu.memory_space<semaphore_mem>>) attributes {dimension_semantics = [#tpu.dimension_semantics<core_parallel>, #tpu.dimension_semantics<subcore_parallel>], iteration_bounds = array<i64: 2, 16>, scalar_prefetch = 0 : i64, scratch_operands = 6 : i64, tpu.core_type = #tpu.core_type<sc_vector_subcore>, window_params = [{transform_indices = #map}, {transform_indices = #map1}, {transform_indices = #map}]} {
    %mul3A = arith.constant 2 : i32
    %mul3A_0 = arith.muli %arg1, %mul3A : i32
    %add3A = arith.addi %mul3A_0, %arg0 : i32
    %mul3A_1 = arith.constant 64 : i32
    %mul3A_2 = arith.muli %add3A, %mul3A_1 : i32
    %add3A_3 = arith.constant 0 : i32
    %add3A_4 = arith.addi %mul3A_2, %add3A_3 : i32
    "tpu.region"() ({
      %run_scoped3A = tpu.sem_alloc : memref<!tpu.dma_semaphore, #tpu.memory_space<semaphore_mem>>
      %dma_start3A_61 = tpu.memref_slice %arg3[%add3A_4] : memref<2048xi32, #tpu.memory_space<hbm>> -> memref<32xi32, #tpu.memory_space<hbm>>
      %dma_start3A_62 = tpu.memref_slice %arg3[%add3A_4] : memref<2048xi32, #tpu.memory_space<hbm>> -> memref<32xi32, #tpu.memory_space<hbm>>
      tpu.enqueue_dma source(%dma_start3A_62 : memref<32xi32, #tpu.memory_space<hbm>>) target(%arg5 : memref<32xi32, #tpu.memory_space<vmem>>) target_semaphore(%run_scoped3A : memref<!tpu.dma_semaphore, #tpu.memory_space<semaphore_mem>>)
      %dma_wait3A_63 = tpu.memref_slice %arg3[%add3A_4] : memref<2048xi32, #tpu.memory_space<hbm>> -> memref<32xi32, #tpu.memory_space<hbm>>
      %dma_wait3A_64 = tpu.memref_slice %arg3[%add3A_4] : memref<2048xi32, #tpu.memory_space<hbm>> -> memref<32xi32, #tpu.memory_space<hbm>>
      tpu.wait_dma2 semaphore(%run_scoped3A : memref<!tpu.dma_semaphore, #tpu.memory_space<semaphore_mem>>) src(%dma_wait3A_64 : memref<32xi32, #tpu.memory_space<hbm>>) dst(%arg5 : memref<32xi32, #tpu.memory_space<vmem>>)
      tpu.yield
    }) : () -> ()
    %dma_start3A = arith.constant 0 : i32
    %dma_start3A_5 = arith.constant 0 : i32
    %dma_start3A_6 = arith.constant 0 : i32
    %dma_start3A_7 = tpu.memref_slice %arg2[%dma_start3A_5, %dma_start3A_6] : memref<10240x768xf32, #tpu.memory_space<hbm>> -> memref<10240x768xf32, #tpu.memory_space<hbm>>
    %dma_start3A_8 = tpu.memref_slice %arg9[%dma_start3A] : memref<2x!tpu.dma_semaphore, #tpu.memory_space<semaphore_mem>> -> memref<1x!tpu.dma_semaphore, #tpu.memory_space<semaphore_mem>>
    %dma_start3A_9 = tpu.memref_squeeze %dma_start3A_8 : memref<1x!tpu.dma_semaphore, #tpu.memory_space<semaphore_mem>> -> memref<!tpu.dma_semaphore, #tpu.memory_space<semaphore_mem>>
    tpu.enqueue_indirect_dma source(%dma_start3A_7 : memref<10240x768xf32, #tpu.memory_space<hbm>>) target(%arg7 : memref<32x768xf32, #tpu.memory_space<vmem>>) offsets(%arg5 : memref<32xi32, #tpu.memory_space<vmem>>) semaphore(%dma_start3A_9 : memref<!tpu.dma_semaphore, #tpu.memory_space<semaphore_mem>>)
    %add3A_10 = arith.constant 32 : i32
    %add3A_11 = arith.addi %mul3A_2, %add3A_10 : i32
    "tpu.region"() ({
      %run_scoped3A = tpu.sem_alloc : memref<!tpu.dma_semaphore, #tpu.memory_space<semaphore_mem>>
      %dma_start3A_61 = tpu.memref_slice %arg3[%add3A_11] : memref<2048xi32, #tpu.memory_space<hbm>> -> memref<32xi32, #tpu.memory_space<hbm>>
      %dma_start3A_62 = tpu.memref_slice %arg3[%add3A_11] : memref<2048xi32, #tpu.memory_space<hbm>> -> memref<32xi32, #tpu.memory_space<hbm>>
      tpu.enqueue_dma source(%dma_start3A_62 : memref<32xi32, #tpu.memory_space<hbm>>) target(%arg6 : memref<32xi32, #tpu.memory_space<vmem>>) target_semaphore(%run_scoped3A : memref<!tpu.dma_semaphore, #tpu.memory_space<semaphore_mem>>)
      %dma_wait3A_63 = tpu.memref_slice %arg3[%add3A_11] : memref<2048xi32, #tpu.memory_space<hbm>> -> memref<32xi32, #tpu.memory_space<hbm>>
      %dma_wait3A_64 = tpu.memref_slice %arg3[%add3A_11] : memref<2048xi32, #tpu.memory_space<hbm>> -> memref<32xi32, #tpu.memory_space<hbm>>
      tpu.wait_dma2 semaphore(%run_scoped3A : memref<!tpu.dma_semaphore, #tpu.memory_space<semaphore_mem>>) src(%dma_wait3A_64 : memref<32xi32, #tpu.memory_space<hbm>>) dst(%arg6 : memref<32xi32, #tpu.memory_space<vmem>>)
      tpu.yield
    }) : () -> ()
    %dma_start3A_12 = arith.constant 1 : i32
    %dma_start3A_13 = arith.constant 0 : i32
    %dma_start3A_14 = arith.constant 0 : i32
    %dma_start3A_15 = tpu.memref_slice %arg2[%dma_start3A_13, %dma_start3A_14] : memref<10240x768xf32, #tpu.memory_space<hbm>> -> memref<10240x768xf32, #tpu.memory_space<hbm>>
    %dma_start3A_16 = tpu.memref_slice %arg9[%dma_start3A_12] : memref<2x!tpu.dma_semaphore, #tpu.memory_space<semaphore_mem>> -> memref<1x!tpu.dma_semaphore, #tpu.memory_space<semaphore_mem>>
    %dma_start3A_17 = tpu.memref_squeeze %dma_start3A_16 : memref<1x!tpu.dma_semaphore, #tpu.memory_space<semaphore_mem>> -> memref<!tpu.dma_semaphore, #tpu.memory_space<semaphore_mem>>
    tpu.enqueue_indirect_dma source(%dma_start3A_15 : memref<10240x768xf32, #tpu.memory_space<hbm>>) target(%arg8 : memref<32x768xf32, #tpu.memory_space<vmem>>) offsets(%arg6 : memref<32xi32, #tpu.memory_space<vmem>>) semaphore(%dma_start3A_17 : memref<!tpu.dma_semaphore, #tpu.memory_space<semaphore_mem>>)
    %dma_wait3A = arith.constant 0 : i32
    %dma_wait3A_18 = arith.constant 0 : i32
    %dma_wait3A_19 = arith.constant 0 : i32
    %dma_wait3A_20 = tpu.memref_slice %arg2[%dma_wait3A_18, %dma_wait3A_19] : memref<10240x768xf32, #tpu.memory_space<hbm>> -> memref<10240x768xf32, #tpu.memory_space<hbm>>
    %dma_wait3A_21 = tpu.memref_slice %arg9[%dma_wait3A] : memref<2x!tpu.dma_semaphore, #tpu.memory_space<semaphore_mem>> -> memref<1x!tpu.dma_semaphore, #tpu.memory_space<semaphore_mem>>
    %dma_wait3A_22 = tpu.memref_squeeze %dma_wait3A_21 : memref<1x!tpu.dma_semaphore, #tpu.memory_space<semaphore_mem>> -> memref<!tpu.dma_semaphore, #tpu.memory_space<semaphore_mem>>
    tpu.wait_indirect_dma semaphore(%dma_wait3A_22 : memref<!tpu.dma_semaphore, #tpu.memory_space<semaphore_mem>>) src(%dma_wait3A_20 : memref<10240x768xf32, #tpu.memory_space<hbm>>) dst(%arg7 : memref<32x768xf32, #tpu.memory_space<vmem>>)
    %add3A_23 = arith.constant 0 : i32
    %add3A_24 = arith.addi %mul3A_2, %add3A_23 : i32
    %dma_start3A_25 = arith.constant 0 : i32
    %dma_start3A_26 = arith.constant 0 : i32
    %dma_start3A_27 = tpu.memref_slice %arg4[%add3A_24, %dma_start3A_26] : memref<2048x768xf32, #tpu.memory_space<hbm>> -> memref<32x768xf32, #tpu.memory_space<hbm>>
    %dma_start3A_28 = tpu.memref_slice %arg10[%dma_start3A_25] : memref<2x!tpu.dma_semaphore, #tpu.memory_space<semaphore_mem>> -> memref<1x!tpu.dma_semaphore, #tpu.memory_space<semaphore_mem>>
    %dma_start3A_29 = tpu.memref_squeeze %dma_start3A_28 : memref<1x!tpu.dma_semaphore, #tpu.memory_space<semaphore_mem>> -> memref<!tpu.dma_semaphore, #tpu.memory_space<semaphore_mem>>
    %dma_start3A_30 = arith.constant 0 : i32
    %dma_start3A_31 = tpu.memref_slice %arg4[%add3A_24, %dma_start3A_30] : memref<2048x768xf32, #tpu.memory_space<hbm>> -> memref<32x768xf32, #tpu.memory_space<hbm>>
    tpu.enqueue_dma source(%arg7 : memref<32x768xf32, #tpu.memory_space<vmem>>) target(%dma_start3A_31 : memref<32x768xf32, #tpu.memory_space<hbm>>) target_semaphore(%dma_start3A_29 : memref<!tpu.dma_semaphore, #tpu.memory_space<semaphore_mem>>)
    %dma_wait3A_32 = arith.constant 1 : i32
    %dma_wait3A_33 = arith.constant 0 : i32
    %dma_wait3A_34 = arith.constant 0 : i32
    %dma_wait3A_35 = tpu.memref_slice %arg2[%dma_wait3A_33, %dma_wait3A_34] : memref<10240x768xf32, #tpu.memory_space<hbm>> -> memref<10240x768xf32, #tpu.memory_space<hbm>>
    %dma_wait3A_36 = tpu.memref_slice %arg9[%dma_wait3A_32] : memref<2x!tpu.dma_semaphore, #tpu.memory_space<semaphore_mem>> -> memref<1x!tpu.dma_semaphore, #tpu.memory_space<semaphore_mem>>
    %dma_wait3A_37 = tpu.memref_squeeze %dma_wait3A_36 : memref<1x!tpu.dma_semaphore, #tpu.memory_space<semaphore_mem>> -> memref<!tpu.dma_semaphore, #tpu.memory_space<semaphore_mem>>
    tpu.wait_indirect_dma semaphore(%dma_wait3A_37 : memref<!tpu.dma_semaphore, #tpu.memory_space<semaphore_mem>>) src(%dma_wait3A_35 : memref<10240x768xf32, #tpu.memory_space<hbm>>) dst(%arg8 : memref<32x768xf32, #tpu.memory_space<vmem>>)
    %add3A_38 = arith.constant 32 : i32
    %add3A_39 = arith.addi %mul3A_2, %add3A_38 : i32
    %dma_start3A_40 = arith.constant 1 : i32
    %dma_start3A_41 = arith.constant 0 : i32
    %dma_start3A_42 = tpu.memref_slice %arg4[%add3A_39, %dma_start3A_41] : memref<2048x768xf32, #tpu.memory_space<hbm>> -> memref<32x768xf32, #tpu.memory_space<hbm>>
    %dma_start3A_43 = tpu.memref_slice %arg10[%dma_start3A_40] : memref<2x!tpu.dma_semaphore, #tpu.memory_space<semaphore_mem>> -> memref<1x!tpu.dma_semaphore, #tpu.memory_space<semaphore_mem>>
    %dma_start3A_44 = tpu.memref_squeeze %dma_start3A_43 : memref<1x!tpu.dma_semaphore, #tpu.memory_space<semaphore_mem>> -> memref<!tpu.dma_semaphore, #tpu.memory_space<semaphore_mem>>
    %dma_start3A_45 = arith.constant 0 : i32
    %dma_start3A_46 = tpu.memref_slice %arg4[%add3A_39, %dma_start3A_45] : memref<2048x768xf32, #tpu.memory_space<hbm>> -> memref<32x768xf32, #tpu.memory_space<hbm>>
    tpu.enqueue_dma source(%arg8 : memref<32x768xf32, #tpu.memory_space<vmem>>) target(%dma_start3A_46 : memref<32x768xf32, #tpu.memory_space<hbm>>) target_semaphore(%dma_start3A_44 : memref<!tpu.dma_semaphore, #tpu.memory_space<semaphore_mem>>)
    %dma_wait3A_47 = arith.constant 0 : i32
    %dma_wait3A_48 = arith.constant 0 : i32
    %dma_wait3A_49 = tpu.memref_slice %arg4[%add3A_24, %dma_wait3A_48] : memref<2048x768xf32, #tpu.memory_space<hbm>> -> memref<32x768xf32, #tpu.memory_space<hbm>>
    %dma_wait3A_50 = tpu.memref_slice %arg10[%dma_wait3A_47] : memref<2x!tpu.dma_semaphore, #tpu.memory_space<semaphore_mem>> -> memref<1x!tpu.dma_semaphore, #tpu.memory_space<semaphore_mem>>
    %dma_wait3A_51 = tpu.memref_squeeze %dma_wait3A_50 : memref<1x!tpu.dma_semaphore, #tpu.memory_space<semaphore_mem>> -> memref<!tpu.dma_semaphore, #tpu.memory_space<semaphore_mem>>
    %dma_wait3A_52 = arith.constant 0 : i32
    %dma_wait3A_53 = tpu.memref_slice %arg4[%add3A_24, %dma_wait3A_52] : memref<2048x768xf32, #tpu.memory_space<hbm>> -> memref<32x768xf32, #tpu.memory_space<hbm>>
    tpu.wait_dma2 semaphore(%dma_wait3A_51 : memref<!tpu.dma_semaphore, #tpu.memory_space<semaphore_mem>>) src(%arg7 : memref<32x768xf32, #tpu.memory_space<vmem>>) dst(%dma_wait3A_53 : memref<32x768xf32, #tpu.memory_space<hbm>>)
    %dma_wait3A_54 = arith.constant 1 : i32
    %dma_wait3A_55 = arith.constant 0 : i32
    %dma_wait3A_56 = tpu.memref_slice %arg4[%add3A_39, %dma_wait3A_55] : memref<2048x768xf32, #tpu.memory_space<hbm>> -> memref<32x768xf32, #tpu.memory_space<hbm>>
    %dma_wait3A_57 = tpu.memref_slice %arg10[%dma_wait3A_54] : memref<2x!tpu.dma_semaphore, #tpu.memory_space<semaphore_mem>> -> memref<1x!tpu.dma_semaphore, #tpu.memory_space<semaphore_mem>>
    %dma_wait3A_58 = tpu.memref_squeeze %dma_wait3A_57 : memref<1x!tpu.dma_semaphore, #tpu.memory_space<semaphore_mem>> -> memref<!tpu.dma_semaphore, #tpu.memory_space<semaphore_mem>>
    %dma_wait3A_59 = arith.constant 0 : i32
    %dma_wait3A_60 = tpu.memref_slice %arg4[%add3A_39, %dma_wait3A_59] : memref<2048x768xf32, #tpu.memory_space<hbm>> -> memref<32x768xf32, #tpu.memory_space<hbm>>
    tpu.wait_dma2 semaphore(%dma_wait3A_58 : memref<!tpu.dma_semaphore, #tpu.memory_space<semaphore_mem>>) src(%arg8 : memref<32x768xf32, #tpu.memory_space<vmem>>) dst(%dma_wait3A_60 : memref<32x768xf32, #tpu.memory_space<hbm>>)
    return
  }
}

module attributes {stable_mosaic.version = 14 : i64} {
  func.func @_ffn_body(%arg0: i32, %arg1: memref<64xi32, #tpu.memory_space<smem>>, %arg2: memref<160x768xf32, #tpu.memory_space<vmem>>, %arg3: memref<1x2048x768xf32, #tpu.memory_space<vmem>>, %arg4: memref<1x768x1024xf32, #tpu.memory_space<vmem>>, %arg5: memref<160x768xf32, #tpu.memory_space<vmem>>) attributes {dimension_semantics = [#tpu.dimension_semantics<arbitrary>], iteration_bounds = array<i64: 64>, scalar_prefetch = 1 : i64, scratch_operands = 0 : i64, tpu.core_type = #tpu.core_type<tc>, window_params = [{transform_indices = @transform_0, window_bounds = array<i64: 160, 768>}, {transform_indices = @transform_1, window_bounds = array<i64: 1, 2048, 768>}, {transform_indices = @transform_2, window_bounds = array<i64: 1, 768, 1024>}, {transform_indices = @transform_3, window_bounds = array<i64: 160, 768>}]} {
    %get3A = arith.constant 0 : index
    %get3A_0 = arith.constant 0 : index
    %get3A_1 = vector.load %arg2[%get3A, %get3A_0] : memref<160x768xf32, #tpu.memory_space<vmem>>, vector<160x768xf32>
    %get3A_2 = arith.constant 0 : index
    %get3A_3 = arith.constant 0 : index
    %get3A_4 = arith.constant 0 : index
    %get3A_5 = vector.load %arg3[%get3A_2, %get3A_3, %get3A_4] : memref<1x2048x768xf32, #tpu.memory_space<vmem>>, vector<1x2048x768xf32>
    %get3A_6 = vector.shape_cast %get3A_5 : vector<1x2048x768xf32> to vector<2048x768xf32>
    %dot_general3A = arith.constant dense<0.000000e+00> : vector<160x2048xf32>
    %dot_general3A_7 = tpu.matmul %get3A_1, %get3A_6, %dot_general3A {dimension_numbers = #tpu.dot_dimension_numbers<[1], [1], [0], [0], [0, 0, 1, 0], [], []>, transpose_lhs_hint = false} : vector<160x768xf32>, vector<2048x768xf32>, vector<160x2048xf32> -> vector<160x2048xf32>
    %slice3A = vector.extract_strided_slice %dot_general3A_7 {offsets = [0, 0], sizes = [160, 1024], strides = [1, 1]} : vector<160x2048xf32> to vector<160x1024xf32>
    %slice3A_8 = vector.extract_strided_slice %dot_general3A_7 {offsets = [0, 1024], sizes = [160, 1024], strides = [1, 1]} : vector<160x2048xf32> to vector<160x1024xf32>
    %mul3A = arith.mulf %slice3A, %slice3A_8 : vector<160x1024xf32>
    %neg3A = arith.constant 0.000000e+00 : f32
    %neg3A_9 = vector.broadcast %neg3A : f32 to vector<160x1024xf32>
    %neg3A_10 = arith.subf %neg3A_9, %slice3A_8 : vector<160x1024xf32>
    %exp3A = math.exp %neg3A_10 : vector<160x1024xf32>
    %add3A = arith.constant 1.000000e+00 : f32
    %add3A_11 = vector.broadcast %add3A : f32 to vector<160x1024xf32>
    %add3A_12 = arith.addf %add3A_11, %exp3A : vector<160x1024xf32>
    %div3A = arith.constant 1.000000e+00 : f32
    %div3A_13 = vector.broadcast %div3A : f32 to vector<160x1024xf32>
    %div3A_14 = arith.divf %div3A_13, %add3A_12 : vector<160x1024xf32>
    %mul3A_15 = arith.mulf %mul3A, %div3A_14 : vector<160x1024xf32>
    %get3A_16 = arith.constant 0 : index
    %get3A_17 = arith.constant 0 : index
    %get3A_18 = arith.constant 0 : index
    %get3A_19 = vector.load %arg4[%get3A_16, %get3A_17, %get3A_18] : memref<1x768x1024xf32, #tpu.memory_space<vmem>>, vector<1x768x1024xf32>
    %get3A_20 = vector.shape_cast %get3A_19 : vector<1x768x1024xf32> to vector<768x1024xf32>
    %dot_general3A_21 = arith.constant dense<0.000000e+00> : vector<160x768xf32>
    %dot_general3A_22 = tpu.matmul %mul3A_15, %get3A_20, %dot_general3A_21 {dimension_numbers = #tpu.dot_dimension_numbers<[1], [1], [0], [0], [0, 0, 1, 0], [], []>, transpose_lhs_hint = false} : vector<160x1024xf32>, vector<768x1024xf32>, vector<160x768xf32> -> vector<160x768xf32>
    %get3A_23 = arith.index_cast %arg0 : i32 to index
    %get3A_24 = memref.load %arg1[%get3A_23] : memref<64xi32, #tpu.memory_space<smem>>
    %iota3A = tpu.iota {dimensions = array<i32: 0>} : vector<160x1xi32>
    %lt3A = vector.broadcast %get3A_24 : i32 to vector<160x1xi32>
    %lt3A_25 = arith.cmpi slt, %iota3A, %lt3A : vector<160x1xi32>
    %jit3A = arith.constant 0.000000e+00 : f32
    %broadcast_in_dim3A = vector.shape_cast %lt3A_25 : vector<160x1xi1> to vector<160x1xi1>
    %broadcast_in_dim3A_26 = vector.broadcast %broadcast_in_dim3A : vector<160x1xi1> to vector<160x768xi1>
    %broadcast_in_dim3A_27 = vector.broadcast %jit3A : f32 to vector<160x768xf32>
    %select_n3A = arith.select %broadcast_in_dim3A_26, %dot_general3A_22, %broadcast_in_dim3A_27 : vector<160x768xi1>, vector<160x768xf32>
    %swap3A = arith.constant 0 : index
    %swap3A_28 = arith.constant 0 : index
    %swap3A_29 = vector.load %arg5[%swap3A, %swap3A_28] : memref<160x768xf32, #tpu.memory_space<vmem>>, vector<160x768xf32>
    tpu.vector_store %arg5[%swap3A, %swap3A_28], %select_n3A {strides = array<i32>} : memref<160x768xf32, #tpu.memory_space<vmem>>, vector<160x768xf32>,
    return
  }
  func.func @transform_0(%arg0: i32, %arg1: memref<64xi32, #tpu.memory_space<smem>>) -> (i32, i32) {
    %c0_i32 = arith.constant 0 : i32
    %c0_i32_0 = arith.constant 0 : i32
    return %arg0, %c0_i32 : i32, i32
  }
  func.func @transform_1(%arg0: i32, %arg1: memref<64xi32, #tpu.memory_space<smem>>) -> (i32, i32, i32) {
    %c0_i32 = arith.constant 0 : i32
    %c0_i32_0 = arith.constant 0 : i32
    %c0_i32_1 = arith.constant 0 : i32
    return %arg0, %c0_i32, %c0_i32_0 : i32, i32, i32
  }
  func.func @transform_2(%arg0: i32, %arg1: memref<64xi32, #tpu.memory_space<smem>>) -> (i32, i32, i32) {
    %c0_i32 = arith.constant 0 : i32
    %c0_i32_0 = arith.constant 0 : i32
    %c0_i32_1 = arith.constant 0 : i32
    return %arg0, %c0_i32, %c0_i32_0 : i32, i32, i32
  }
  func.func @transform_3(%arg0: i32, %arg1: memref<64xi32, #tpu.memory_space<smem>>) -> (i32, i32) {
    %c0_i32 = arith.constant 0 : i32
    %c0_i32_0 = arith.constant 0 : i32
    return %arg0, %c0_i32 : i32, i32
  }
}

module attributes {stable_mosaic.version = 14 : i64} {
  func.func @_gate_body(%arg0: memref<2048x768xf32, #tpu.memory_space<vmem>>, %arg1: memref<64x768xf32, #tpu.memory_space<vmem>>, %arg2: memref<1x64xf32, #tpu.memory_space<vmem>>, %arg3: memref<2048xi32, #tpu.memory_space<vmem>>, %arg4: memref<1x64xi32, #tpu.memory_space<vmem>>) attributes {dimension_semantics = [], scalar_prefetch = 0 : i64, scratch_operands = 0 : i64, tpu.core_type = #tpu.core_type<tc>} {
    %get3A = arith.constant 0 : index
    %get3A_0 = arith.constant 0 : index
    %get3A_1 = vector.load %arg0[%get3A, %get3A_0] : memref<2048x768xf32, #tpu.memory_space<vmem>>, vector<2048x768xf32>
    %get3A_2 = arith.constant 0 : index
    %get3A_3 = arith.constant 0 : index
    %get3A_4 = vector.load %arg1[%get3A_2, %get3A_3] : memref<64x768xf32, #tpu.memory_space<vmem>>, vector<64x768xf32>
    %dot_general3A = arith.constant dense<0.000000e+00> : vector<2048x64xf32>
    %dot_general3A_5 = tpu.matmul %get3A_1, %get3A_4, %dot_general3A {dimension_numbers = #tpu.dot_dimension_numbers<[1], [1], [0], [0], [0, 0, 1, 0], [], []>, transpose_lhs_hint = false} : vector<2048x768xf32>, vector<64x768xf32>, vector<2048x64xf32> -> vector<2048x64xf32>
    %get3A_6 = arith.constant 0 : index
    %get3A_7 = arith.constant 0 : index
    %get3A_8 = vector.load %arg2[%get3A_6, %get3A_7] : memref<1x64xf32, #tpu.memory_space<vmem>>, vector<1x64xf32>
    %add3A = vector.broadcast %get3A_8 : vector<1x64xf32> to vector<2048x64xf32>
    %add3A_9 = arith.addf %dot_general3A_5, %add3A : vector<2048x64xf32>
    %reduce_max3A = arith.constant dense<0xFF800000> : vector<2048xf32>
    %reduce_max3A_10 = vector.multi_reduction <maximumf>, %add3A_9, %reduce_max3A [1] : vector<2048x64xf32> to vector<2048xf32>
    %broadcast_in_dim3A = vector.shape_cast %reduce_max3A_10 : vector<2048xf32> to vector<2048x1xf32>
    %iota3A = tpu.iota {dimensions = array<i32: 1>} : vector<2048x64xi32>
    %eq3A = vector.broadcast %broadcast_in_dim3A : vector<2048x1xf32> to vector<2048x64xf32>
    %eq3A_11 = arith.cmpf oeq, %add3A_9, %eq3A : vector<2048x64xf32>
    %jit3A = arith.constant 64 : i32
    %broadcast_in_dim3A_12 = vector.broadcast %jit3A : i32 to vector<2048x64xi32>
    %select_n3A = arith.select %eq3A_11, %iota3A, %broadcast_in_dim3A_12 : vector<2048x64xi1>, vector<2048x64xi32>
    %reduce_min3A = arith.constant dense<2147483647> : vector<2048xi32>
    %reduce_min3A_13 = vector.multi_reduction <minsi>, %select_n3A, %reduce_min3A [1] : vector<2048x64xi32> to vector<2048xi32>
    %broadcast_in_dim3A_14 = vector.shape_cast %reduce_min3A_13 : vector<2048xi32> to vector<2048x1xi32>
    %eq3A_15 = vector.broadcast %broadcast_in_dim3A_14 : vector<2048x1xi32> to vector<2048x64xi32>
    %eq3A_16 = arith.cmpi eq, %iota3A, %eq3A_15 : vector<2048x64xi32>
    %convert_element_type3A = arith.extui %eq3A_16 : vector<2048x64xi1> to vector<2048x64xi32>
    %convert_element_type3A_17 = arith.sitofp %convert_element_type3A : vector<2048x64xi32> to vector<2048x64xf32>
    %convert_element_type3A_18 = arith.truncf %convert_element_type3A_17 : vector<2048x64xf32> to vector<2048x64xbf16>
    %iota3A_19 = tpu.iota {dimensions = array<i32: 0>} : vector<256x256xi32>
    %iota3A_20 = tpu.iota {dimensions = array<i32: 1>} : vector<256x256xi32>
    %lt3A = arith.cmpi slt, %iota3A_20, %iota3A_19 : vector<256x256xi32>
    %convert_element_type3A_21 = arith.extui %lt3A : vector<256x256xi1> to vector<256x256xi32>
    %convert_element_type3A_22 = arith.sitofp %convert_element_type3A_21 : vector<256x256xi32> to vector<256x256xf32>
    %convert_element_type3A_23 = arith.truncf %convert_element_type3A_22 : vector<256x256xf32> to vector<256x256xbf16>
    %broadcast_in_dim3A_24 = arith.constant 0.000000e+00 : f32
    %broadcast_in_dim3A_25 = vector.broadcast %broadcast_in_dim3A_24 : f32 to vector<1x64xf32>
    %slice3A = vector.extract_strided_slice %convert_element_type3A_18 {offsets = [0, 0], sizes = [256, 64], strides = [1, 1]} : vector<2048x64xbf16> to vector<256x64xbf16>
    %dot_general3A_26 = arith.constant dense<0.000000e+00> : vector<256x64xf32>
    %dot_general3A_27 = tpu.matmul %convert_element_type3A_23, %slice3A, %dot_general3A_26 {dimension_numbers = #tpu.dot_dimension_numbers<[1], [0], [0], [1], [0, 0, 1, 1], [], []>, transpose_lhs_hint = false} : vector<256x256xbf16>, vector<256x64xbf16>, vector<256x64xf32> -> vector<256x64xf32>
    %add3A_28 = vector.broadcast %broadcast_in_dim3A_25 : vector<1x64xf32> to vector<256x64xf32>
    %add3A_29 = arith.addf %dot_general3A_27, %add3A_28 : vector<256x64xf32>
    %convert_element_type3A_30 = arith.extf %slice3A : vector<256x64xbf16> to vector<256x64xf32>
    %reduce_sum3A = arith.constant dense<0.000000e+00> : vector<64xf32>
    %reduce_sum3A_31 = vector.multi_reduction <add>, %convert_element_type3A_30, %reduce_sum3A [0] : vector<256x64xf32> to vector<64xf32>
    %broadcast_in_dim3A_32 = vector.shape_cast %reduce_sum3A_31 : vector<64xf32> to vector<1x64xf32>
    %add3A_33 = arith.addf %broadcast_in_dim3A_25, %broadcast_in_dim3A_32 : vector<1x64xf32>
    %slice3A_34 = vector.extract_strided_slice %convert_element_type3A_18 {offsets = [256, 0], sizes = [256, 64], strides = [1, 1]} : vector<2048x64xbf16> to vector<256x64xbf16>
    %dot_general3A_35 = arith.constant dense<0.000000e+00> : vector<256x64xf32>
    %dot_general3A_36 = tpu.matmul %convert_element_type3A_23, %slice3A_34, %dot_general3A_35 {dimension_numbers = #tpu.dot_dimension_numbers<[1], [0], [0], [1], [0, 0, 1, 1], [], []>, transpose_lhs_hint = false} : vector<256x256xbf16>, vector<256x64xbf16>, vector<256x64xf32> -> vector<256x64xf32>
    %add3A_37 = vector.broadcast %add3A_33 : vector<1x64xf32> to vector<256x64xf32>
    %add3A_38 = arith.addf %dot_general3A_36, %add3A_37 : vector<256x64xf32>
    %convert_element_type3A_39 = arith.extf %slice3A_34 : vector<256x64xbf16> to vector<256x64xf32>
    %reduce_sum3A_40 = arith.constant dense<0.000000e+00> : vector<64xf32>
    %reduce_sum3A_41 = vector.multi_reduction <add>, %convert_element_type3A_39, %reduce_sum3A_40 [0] : vector<256x64xf32> to vector<64xf32>
    %broadcast_in_dim3A_42 = vector.shape_cast %reduce_sum3A_41 : vector<64xf32> to vector<1x64xf32>
    %add3A_43 = arith.addf %add3A_33, %broadcast_in_dim3A_42 : vector<1x64xf32>
    %slice3A_44 = vector.extract_strided_slice %convert_element_type3A_18 {offsets = [512, 0], sizes = [256, 64], strides = [1, 1]} : vector<2048x64xbf16> to vector<256x64xbf16>
    %dot_general3A_45 = arith.constant dense<0.000000e+00> : vector<256x64xf32>
    %dot_general3A_46 = tpu.matmul %convert_element_type3A_23, %slice3A_44, %dot_general3A_45 {dimension_numbers = #tpu.dot_dimension_numbers<[1], [0], [0], [1], [0, 0, 1, 1], [], []>, transpose_lhs_hint = false} : vector<256x256xbf16>, vector<256x64xbf16>, vector<256x64xf32> -> vector<256x64xf32>
    %add3A_47 = vector.broadcast %add3A_43 : vector<1x64xf32> to vector<256x64xf32>
    %add3A_48 = arith.addf %dot_general3A_46, %add3A_47 : vector<256x64xf32>
    %convert_element_type3A_49 = arith.extf %slice3A_44 : vector<256x64xbf16> to vector<256x64xf32>
    %reduce_sum3A_50 = arith.constant dense<0.000000e+00> : vector<64xf32>
    %reduce_sum3A_51 = vector.multi_reduction <add>, %convert_element_type3A_49, %reduce_sum3A_50 [0] : vector<256x64xf32> to vector<64xf32>
    %broadcast_in_dim3A_52 = vector.shape_cast %reduce_sum3A_51 : vector<64xf32> to vector<1x64xf32>
    %add3A_53 = arith.addf %add3A_43, %broadcast_in_dim3A_52 : vector<1x64xf32>
    %slice3A_54 = vector.extract_strided_slice %convert_element_type3A_18 {offsets = [768, 0], sizes = [256, 64], strides = [1, 1]} : vector<2048x64xbf16> to vector<256x64xbf16>
    %dot_general3A_55 = arith.constant dense<0.000000e+00> : vector<256x64xf32>
    %dot_general3A_56 = tpu.matmul %convert_element_type3A_23, %slice3A_54, %dot_general3A_55 {dimension_numbers = #tpu.dot_dimension_numbers<[1], [0], [0], [1], [0, 0, 1, 1], [], []>, transpose_lhs_hint = false} : vector<256x256xbf16>, vector<256x64xbf16>, vector<256x64xf32> -> vector<256x64xf32>
    %add3A_57 = vector.broadcast %add3A_53 : vector<1x64xf32> to vector<256x64xf32>
    %add3A_58 = arith.addf %dot_general3A_56, %add3A_57 : vector<256x64xf32>
    %convert_element_type3A_59 = arith.extf %slice3A_54 : vector<256x64xbf16> to vector<256x64xf32>
    %reduce_sum3A_60 = arith.constant dense<0.000000e+00> : vector<64xf32>
    %reduce_sum3A_61 = vector.multi_reduction <add>, %convert_element_type3A_59, %reduce_sum3A_60 [0] : vector<256x64xf32> to vector<64xf32>
    %broadcast_in_dim3A_62 = vector.shape_cast %reduce_sum3A_61 : vector<64xf32> to vector<1x64xf32>
    %add3A_63 = arith.addf %add3A_53, %broadcast_in_dim3A_62 : vector<1x64xf32>
    %slice3A_64 = vector.extract_strided_slice %convert_element_type3A_18 {offsets = [1024, 0], sizes = [256, 64], strides = [1, 1]} : vector<2048x64xbf16> to vector<256x64xbf16>
    %dot_general3A_65 = arith.constant dense<0.000000e+00> : vector<256x64xf32>
    %dot_general3A_66 = tpu.matmul %convert_element_type3A_23, %slice3A_64, %dot_general3A_65 {dimension_numbers = #tpu.dot_dimension_numbers<[1], [0], [0], [1], [0, 0, 1, 1], [], []>, transpose_lhs_hint = false} : vector<256x256xbf16>, vector<256x64xbf16>, vector<256x64xf32> -> vector<256x64xf32>
    %add3A_67 = vector.broadcast %add3A_63 : vector<1x64xf32> to vector<256x64xf32>
    %add3A_68 = arith.addf %dot_general3A_66, %add3A_67 : vector<256x64xf32>
    %convert_element_type3A_69 = arith.extf %slice3A_64 : vector<256x64xbf16> to vector<256x64xf32>
    %reduce_sum3A_70 = arith.constant dense<0.000000e+00> : vector<64xf32>
    %reduce_sum3A_71 = vector.multi_reduction <add>, %convert_element_type3A_69, %reduce_sum3A_70 [0] : vector<256x64xf32> to vector<64xf32>
    %broadcast_in_dim3A_72 = vector.shape_cast %reduce_sum3A_71 : vector<64xf32> to vector<1x64xf32>
    %add3A_73 = arith.addf %add3A_63, %broadcast_in_dim3A_72 : vector<1x64xf32>
    %slice3A_74 = vector.extract_strided_slice %convert_element_type3A_18 {offsets = [1280, 0], sizes = [256, 64], strides = [1, 1]} : vector<2048x64xbf16> to vector<256x64xbf16>
    %dot_general3A_75 = arith.constant dense<0.000000e+00> : vector<256x64xf32>
    %dot_general3A_76 = tpu.matmul %convert_element_type3A_23, %slice3A_74, %dot_general3A_75 {dimension_numbers = #tpu.dot_dimension_numbers<[1], [0], [0], [1], [0, 0, 1, 1], [], []>, transpose_lhs_hint = false} : vector<256x256xbf16>, vector<256x64xbf16>, vector<256x64xf32> -> vector<256x64xf32>
    %add3A_77 = vector.broadcast %add3A_73 : vector<1x64xf32> to vector<256x64xf32>
    %add3A_78 = arith.addf %dot_general3A_76, %add3A_77 : vector<256x64xf32>
    %convert_element_type3A_79 = arith.extf %slice3A_74 : vector<256x64xbf16> to vector<256x64xf32>
    %reduce_sum3A_80 = arith.constant dense<0.000000e+00> : vector<64xf32>
    %reduce_sum3A_81 = vector.multi_reduction <add>, %convert_element_type3A_79, %reduce_sum3A_80 [0] : vector<256x64xf32> to vector<64xf32>
    %broadcast_in_dim3A_82 = vector.shape_cast %reduce_sum3A_81 : vector<64xf32> to vector<1x64xf32>
    %add3A_83 = arith.addf %add3A_73, %broadcast_in_dim3A_82 : vector<1x64xf32>
    %slice3A_84 = vector.extract_strided_slice %convert_element_type3A_18 {offsets = [1536, 0], sizes = [256, 64], strides = [1, 1]} : vector<2048x64xbf16> to vector<256x64xbf16>
    %dot_general3A_85 = arith.constant dense<0.000000e+00> : vector<256x64xf32>
    %dot_general3A_86 = tpu.matmul %convert_element_type3A_23, %slice3A_84, %dot_general3A_85 {dimension_numbers = #tpu.dot_dimension_numbers<[1], [0], [0], [1], [0, 0, 1, 1], [], []>, transpose_lhs_hint = false} : vector<256x256xbf16>, vector<256x64xbf16>, vector<256x64xf32> -> vector<256x64xf32>
    %add3A_87 = vector.broadcast %add3A_83 : vector<1x64xf32> to vector<256x64xf32>
    %add3A_88 = arith.addf %dot_general3A_86, %add3A_87 : vector<256x64xf32>
    %convert_element_type3A_89 = arith.extf %slice3A_84 : vector<256x64xbf16> to vector<256x64xf32>
    %reduce_sum3A_90 = arith.constant dense<0.000000e+00> : vector<64xf32>
    %reduce_sum3A_91 = vector.multi_reduction <add>, %convert_element_type3A_89, %reduce_sum3A_90 [0] : vector<256x64xf32> to vector<64xf32>
    %broadcast_in_dim3A_92 = vector.shape_cast %reduce_sum3A_91 : vector<64xf32> to vector<1x64xf32>
    %add3A_93 = arith.addf %add3A_83, %broadcast_in_dim3A_92 : vector<1x64xf32>
    %slice3A_94 = vector.extract_strided_slice %convert_element_type3A_18 {offsets = [1792, 0], sizes = [256, 64], strides = [1, 1]} : vector<2048x64xbf16> to vector<256x64xbf16>
    %dot_general3A_95 = arith.constant dense<0.000000e+00> : vector<256x64xf32>
    %dot_general3A_96 = tpu.matmul %convert_element_type3A_23, %slice3A_94, %dot_general3A_95 {dimension_numbers = #tpu.dot_dimension_numbers<[1], [0], [0], [1], [0, 0, 1, 1], [], []>, transpose_lhs_hint = false} : vector<256x256xbf16>, vector<256x64xbf16>, vector<256x64xf32> -> vector<256x64xf32>
    %add3A_97 = vector.broadcast %add3A_93 : vector<1x64xf32> to vector<256x64xf32>
    %add3A_98 = arith.addf %dot_general3A_96, %add3A_97 : vector<256x64xf32>
    %convert_element_type3A_99 = arith.extf %slice3A_94 : vector<256x64xbf16> to vector<256x64xf32>
    %reduce_sum3A_100 = arith.constant dense<0.000000e+00> : vector<64xf32>
    %reduce_sum3A_101 = vector.multi_reduction <add>, %convert_element_type3A_99, %reduce_sum3A_100 [0] : vector<256x64xf32> to vector<64xf32>
    %broadcast_in_dim3A_102 = vector.shape_cast %reduce_sum3A_101 : vector<64xf32> to vector<1x64xf32>
    %add3A_103 = arith.addf %add3A_93, %broadcast_in_dim3A_102 : vector<1x64xf32>
    %concatenate3A = tpu.concatenate %add3A_29, %add3A_38, %add3A_48, %add3A_58, %add3A_68, %add3A_78, %add3A_88, %add3A_98 in 0 : vector<256x64xf32>, vector<256x64xf32>, vector<256x64xf32>, vector<256x64xf32>, vector<256x64xf32>, vector<256x64xf32>, vector<256x64xf32>, vector<256x64xf32> -> vector<2048x64xf32>
    %jit3A_104 = arith.constant 0.000000e+00 : f32
    %broadcast_in_dim3A_105 = vector.broadcast %jit3A_104 : f32 to vector<2048x64xf32>
    %select_n3A_106 = arith.select %eq3A_16, %concatenate3A, %broadcast_in_dim3A_105 : vector<2048x64xi1>, vector<2048x64xf32>
    %reduce_sum3A_107 = arith.constant dense<0.000000e+00> : vector<2048xf32>
    %reduce_sum3A_108 = vector.multi_reduction <add>, %select_n3A_106, %reduce_sum3A_107 [1] : vector<2048x64xf32> to vector<2048xf32>
    %broadcast_in_dim3A_109 = vector.shape_cast %reduce_sum3A_108 : vector<2048xf32> to vector<2048x1xf32>
    %convert_element_type3A_110 = arith.fptosi %broadcast_in_dim3A_109 : vector<2048x1xf32> to vector<2048x1xi32>
    %convert_element_type3A_111 = arith.fptosi %add3A_103 : vector<1x64xf32> to vector<1x64xi32>
    %swap3A = arith.constant 0 : index
    %swap3A_112 = arith.constant 0 : index
    %swap3A_113 = vector.load %arg4[%swap3A, %swap3A_112] : memref<1x64xi32, #tpu.memory_space<vmem>>, vector<1x64xi32>
    tpu.vector_store %arg4[%swap3A, %swap3A_112], %convert_element_type3A_111 {strides = array<i32>} : memref<1x64xi32, #tpu.memory_space<vmem>>, vector<1x64xi32>,
    %reduce_min3A_114 = arith.constant dense<0x7F800000> : vector<1xf32>
    %reduce_min3A_115 = vector.multi_reduction <minimumf>, %add3A_103, %reduce_min3A_114 [1] : vector<1x64xf32> to vector<1xf32>
    %broadcast_in_dim3A_116 = vector.shape_cast %reduce_min3A_115 : vector<1xf32> to vector<1x1xf32>
    %iota3A_117 = tpu.iota {dimensions = array<i32: 1>} : vector<1x64xi32>
    %eq3A_118 = vector.broadcast %broadcast_in_dim3A_116 : vector<1x1xf32> to vector<1x64xf32>
    %eq3A_119 = arith.cmpf oeq, %add3A_103, %eq3A_118 : vector<1x64xf32>
    %jit3A_120 = arith.constant 64 : i32
    %broadcast_in_dim3A_121 = vector.broadcast %jit3A_120 : i32 to vector<1x64xi32>
    %select_n3A_122 = arith.select %eq3A_119, %iota3A_117, %broadcast_in_dim3A_121 : vector<1x64xi1>, vector<1x64xi32>
    %reduce_min3A_123 = arith.constant dense<2147483647> : vector<1xi32>
    %reduce_min3A_124 = vector.multi_reduction <minsi>, %select_n3A_122, %reduce_min3A_123 [1] : vector<1x64xi32> to vector<1xi32>
    %broadcast_in_dim3A_125 = vector.shape_cast %reduce_min3A_124 : vector<1xi32> to vector<1x1xi32>
    %mul3A = arith.constant 160 : i32
    %mul3A_126 = vector.broadcast %mul3A : i32 to vector<1x1xi32>
    %mul3A_127 = arith.muli %broadcast_in_dim3A_125, %mul3A_126 : vector<1x1xi32>
    %add3A_128 = arith.constant 159 : i32
    %add3A_129 = vector.broadcast %add3A_128 : i32 to vector<1x1xi32>
    %add3A_130 = arith.addi %mul3A_127, %add3A_129 : vector<1x1xi32>
    %lt3A_131 = arith.constant 160 : i32
    %lt3A_132 = vector.broadcast %lt3A_131 : i32 to vector<2048x1xi32>
    %lt3A_133 = arith.cmpi slt, %convert_element_type3A_110, %lt3A_132 : vector<2048x1xi32>
    %mul3A_134 = arith.constant 160 : i32
    %mul3A_135 = vector.broadcast %mul3A_134 : i32 to vector<2048x1xi32>
    %mul3A_136 = arith.muli %broadcast_in_dim3A_14, %mul3A_135 : vector<2048x1xi32>
    %add3A_137 = arith.addi %mul3A_136, %convert_element_type3A_110 : vector<2048x1xi32>
    %broadcast_in_dim3A_138 = vector.shape_cast %add3A_130 : vector<1x1xi32> to vector<1x1xi32>
    %broadcast_in_dim3A_139 = vector.broadcast %broadcast_in_dim3A_138 : vector<1x1xi32> to vector<2048x1xi32>
    %select_n3A_140 = arith.select %lt3A_133, %add3A_137, %broadcast_in_dim3A_139 : vector<2048x1xi1>, vector<2048x1xi32>
    %reshape3A = vector.shape_cast %select_n3A_140 : vector<2048x1xi32> to vector<2048xi32>
    %swap3A_141 = arith.constant 0 : index
    %swap3A_142 = vector.load %arg3[%swap3A_141] : memref<2048xi32, #tpu.memory_space<vmem>>, vector<2048xi32>
    tpu.vector_store %arg3[%swap3A_141], %reshape3A {strides = array<i32>} : memref<2048xi32, #tpu.memory_space<vmem>>, vector<2048xi32>,
    return
  }
}

</mosaic_0001>

<sc_bundles>
// kernel: kernel.6.cloned.1.call-start
scs
__scs_entry_jumppad:
0x0: {  	(pc) =	sbr.rel $0x88, $3  }
0x1: {  	(tag) =	ssettag $0x0;
	lr =	simm.s32 $0x1  }
0x2: {  	[smem:$0x3F9C] =	sst lr;
	_ =	strace $0xD0000000  }
0x3: {  	_ = 	snop  }
0x4: {  	_ = 	snop  }
0x5: {  	_ = 	snop  }
0x6: {  	_ = 	snop  }
0x7: {  	_ = 	snop  }
__scs_overlays_trampoline_lowered:
0x8: {  	[smem:$0x3FAB] =	sst s0  }
0x9: {  	[smem:$0x3FAC] =	sst s1  }
0xa: {  	[smem:$0x3FAD] =	sst s2  }
0xb: {  	[smem:$0x3FAE] =	sst s3  }
0xc: {  	[smem:$0x3FAF] =	sst s4  }
0xd: {  	[smem:$0x3FB0] =	sst s5  }
0xe: {  	[smem:$0x3FB1] =	sst s6  }
0xf: {  	[smem:$0x3FB2] =	sst s7  }
0x10: {  	[smem:$0x3FB3] =	sst s8  }
0x11: {  	[smem:$0x3FB4] =	sst s9;
	s0 =	simm.s32 @!p0 $0x0  }
0x12: {  	s1 =	sld [smem:$0x3F9A];
	s0 =	simm.s32 @p0 $0x1  }
0x13: {  	[smem:$0x3FB5] =	sst s0;
	s0 =	simm.s32 @!p1 $0x0  }
0x14: {  	s2 =	sld [smem:$0x3F99];
	s0 =	simm.s32 @p1 $0x1  }
0x15: {  	[smem:$0x3FB6] =	sst s0;
	s0 =	simm.s32 @!p2 $0x0  }
0x16: {  	s3 =	sld [smem:$0x3FDB];
	s0 =	simm.s32 @p2 $0x1  }
0x17: {  	s4 =	simm.s32 $0x1BF5;
	[smem:$0x3FB8] =	sst s0  }
0x18: {  	s0 =	sld [smem:$0x3F9B];
	_ =	swait.ge [sflag:s4], $0x0  }
0x19: {  	s7 =	sld [smem:$0x3F9C]  }
0x1a: {  	s8 =	sadd.s32 $0xFFFFE003, lr  }
0x1b: {  	s9 =	sadd.s32 $0xFFFFFEF7, lr;
	s5 =	simm.s32 $0xFFFFFFFF;
	p2 =	slt.u32 s8, $0xFFFFF086  }
0x1c: {  	p1 =	slt.u32 s9, $0xF7A;
	s5 =	simm.s32 @!p2 $0x0  }
0x1d: {  	s5 =	simm.s32 @p1 $0x1;
	p0 =	seq.s32 s7, s2  }
0x1e: {  	s7 =	smul.u32 @!p0 $0xF7A, s2;
	p2 =	seq.s32 @!p0 s5, $0x0  }
0x1f: {  	s9 =	smul.u32 $0xF7A, s1;
	s8 =	simm.s32 @!p0 $0x1BF5;
	p2 =	por !p2, p0  }
0x20: {  	[sflag:s8] =	ssyncset.s32 @!p0 $0xFFFFF086;
	s6 =	sadd.s32 @!p0 s3, s7;
	s7 =	simm.s32 @!p0 $0x108  }
0x21: {  	s3 =	sadd.s32 s3, s9;
	s6 =	sadd.s32 @!p0 $0x88, s6;
	s7 =	simm.s32 @p2 $0x1082  }
0x22: {  	[simem:s7], [sflag:s8] =	dma.local @!p0 [hbm:s6], $0xF7A  }
0x23: {  	s9 =	sor.u32 $0xD0000000, s2;
	s6 =	simm.s32 $0x108;
	_ =	swait.ge @!p0 [sflag:s8], $0x0  }
0x24: {  	s3 =	sadd.s32 $0x88, s3;
	s6 =	simm.s32 @!p1 $0x1082;
	[sflag:s4] =	ssyncset.s32 $0xFFFFF086  }
0x25: {  	[simem:s6], [sflag:s4] =	dma.local [hbm:s3], $0xF7A  }
0x26: {  	[smem:$0x3F9C] =	sst s1;
	(tag) =	ssettag s2;
	_ =	strace s9  }
0x27: {  	s1 =	sld [smem:$0x3FAC]  }
0x28: {  	s2 =	sld [smem:$0x3FAD]  }
0x29: {  	s4 =	sld [smem:$0x3FAF]  }
0x2a: {  	p0 =	seq.s32 s5, $0x0;
	s5 =	sld [smem:$0x3FB0]  }
0x2b: {  	s6 =	sld [smem:$0x3FB1]  }
0x2c: {  	s7 =	sld [smem:$0x3FB2]  }
0x2d: {  	s3 =	simm.s32 $0x108;
	s8 =	sld [smem:$0x3FB3]  }
0x2e: {  	s3 =	simm.s32 @!p0 $0x1082;
	s9 =	sld [smem:$0x3FB4]  }
0x2f: {  	lr =	sadd.s32 s0, s3;
	s0 =	sld [smem:$0x3FAB]  }
0x30: {  	s3 =	sld [smem:$0x3FAE]  }
0x31: {  	[smem:$0x3FB7] =	sst s10  }
0x32: {  	s10 =	sld [smem:$0x3FB5];
	_ =	sdelay $0x3  }
0x33: {  	p0 =	seq.s32 s10, $0x1;
	s10 =	sld [smem:$0x3FB7];
	_ =	sdelay $0x3  }
0x34: {  	[smem:$0x3FB7] =	sst s10  }
0x35: {  	s10 =	sld [smem:$0x3FB6];
	_ =	sdelay $0x3  }
0x36: {  	p1 =	seq.s32 s10, $0x1;
	s10 =	sld [smem:$0x3FB7];
	_ =	sdelay $0x3  }
0x37: {  	[smem:$0x3FB7] =	sst s10  }
0x38: {  	s10 =	sld [smem:$0x3FB8]  }
0x39: {  	_ = 	snop;
	(pc) =	sbr.ind lr, $3  }
0x3a: {  	_ = 	snop  }
0x3b: {  	_ = 	snop  }
0x3c: {  	p2 =	seq.s32 s10, $0x1;
	s10 =	sld [smem:$0x3FB7]  }
0x3d: {  	_ =	shalt  }
0x3e: {  	_ =	shalt  }
0x3f: {  	_ =	shalt  }
0x40: {  	_ =	shalt  }
0x41: {  	_ =	shalt  }
0x42: {  	_ =	shalt  }
0x43: {  	_ =	shalt  }
0x44: {  	_ =	shalt  }
0x45: {  	_ =	shalt  }
0x46: {  	_ =	shalt  }
0x47: {  	_ =	shalt  }
0x48: {  	_ =	shalt  }
0x49: {  	_ =	shalt  }
0x4a: {  	_ =	shalt  }
0x4b: {  	_ =	shalt  }
0x4c: {  	_ =	shalt  }
0x4d: {  	_ =	shalt  }
0x4e: {  	_ =	shalt  }
0x4f: {  	_ =	shalt  }
0x50: {  	_ =	shalt  }
0x51: {  	_ =	shalt  }
0x52: {  	_ =	shalt  }
0x53: {  	_ =	shalt  }
0x54: {  	_ =	shalt  }
0x55: {  	_ =	shalt  }
0x56: {  	_ =	shalt  }
0x57: {  	_ =	shalt  }
0x58: {  	_ =	shalt  }
0x59: {  	_ =	shalt  }
0x5a: {  	_ =	shalt  }
0x5b: {  	_ =	shalt  }
0x5c: {  	_ =	shalt  }
0x5d: {  	_ =	shalt  }
0x5e: {  	_ =	shalt  }
0x5f: {  	_ =	shalt  }
0x60: {  	_ =	shalt  }
0x61: {  	_ =	shalt  }
0x62: {  	_ =	shalt  }
0x63: {  	_ =	shalt  }
0x64: {  	_ =	shalt  }
0x65: {  	_ =	shalt  }
0x66: {  	_ =	shalt  }
0x67: {  	_ =	shalt  }
0x68: {  	_ =	shalt  }
0x69: {  	_ =	shalt  }
0x6a: {  	_ =	shalt  }
0x6b: {  	_ =	shalt  }
0x6c: {  	_ =	shalt  }
0x6d: {  	_ =	shalt  }
0x6e: {  	_ =	shalt  }
0x6f: {  	_ =	shalt  }
0x70: {  	_ =	shalt  }
0x71: {  	_ =	shalt  }
0x72: {  	_ =	shalt  }
0x73: {  	_ =	shalt  }
0x74: {  	_ =	shalt  }
0x75: {  	_ =	shalt  }
0x76: {  	_ =	shalt  }
0x77: {  	_ =	shalt  }
0x78: {  	_ =	shalt  }
0x79: {  	_ =	shalt  }
0x7a: {  	_ =	shalt  }
0x7b: {  	_ =	shalt  }
0x7c: {  	_ =	shalt  }
0x7d: {  	_ =	shalt  }
0x7e: {  	_ =	shalt  }
0x7f: {  	_ =	shalt  }
0x80: {  	_ =	shalt  }
0x81: {  	_ =	shalt  }
0x82: {  	_ =	shalt  }
0x83: {  	_ =	shalt  }
0x84: {  	_ =	shalt  }
0x85: {  	_ =	shalt  }
0x86: {  	_ =	shalt  }
0x87: {  	_ =	shalt  }
.Lfunc_end0:
.L_simem_size_0:
called_computation_lowered:
.L_overlay_start_0:
0x88: {  	s2 =	sld [smem:$0x3FD9]  }
0x89: {  	s3 =	sld [smem:$0x3FFE];
	_ =	sdelay $0x1  }
0x8a: {  	s1 =	srdreg.scid  }
0x8b: {  	s0 =	sand.u32 $0x1, s1  }
0x8c: {  	s17 =	sshll.u32 s0, $0xA;
	s2 =	sadd.s32 s3, s2  }
0x8d: {  	s2 =	sadd.s32 s2, s17  }
0x8e: {  	[smem:$0x3FC3] =	sst s2  }
0x8f: {  	_ = 	snop  }
0x90: {  	s2 =	sld [smem:$0x3FC9];
	(tm) =	ssettm $0x1  }
0x91: {  	s18 =	sld [smem:$0x3FFB];
	_ =	sdelay $0x3  }
0x92: {  	_ =	strace s18  }
0x93: {  	s3 =	sld [smem:$0x3FFC];
	_ =	sdelay $0x3  }
0x94: {  	_ =	strace s3  }
0x95: {  	s3 =	sld [smem:$0x3FFD];
	_ =	sdelay $0x3  }
0x96: {  	_ =	strace s3  }
0x97: {  	_ =	strace $0x8FFFFFFF  }
0x98: {  	s19 =	sld [smem:$0x3FDB];
	_ =	sdelay $0x1  }
0x99: {  	s4 =	simm.s32 $_scs_section_size  }
0x9a: {  	s5 =	simm.s32 $_size__tile_overlayer_lowered;
	s6 =	simm.s32 $_tile_overlayer_lowered  }
0x9b: {  	s22 =	simm.s32 $0x1BFF;
	s21 =	sshll.u32 s6, $0x1;
	s3 =	sadd.s32 s4, s19  }
0x9c: {  	s7 =	simm.s32 $0x0;
	s20 =	sshll.u32 s5, $0x1;
	s5 =	sadd.s32 s21, s3  }
0x9d: {  	[timem:s7], [sflag:s22] =	dma.local [hbm:s5], s20  }
0x9e: {  	_ =	swait.ge [sflag:s22], s20  }
0x9f: {  	s4 =	ssub.s32 $0x0, s20;
	[sflag:s22] =	ssyncset.done $0x0  }
0xa0: {  	[sflag:s22] =	ssyncadd.s32 s4;
	_ =	sdelay $0x1  }
0xa1: {  	s23 =	simm.s32 $0x1B8B  }
0xa2: {  	_ =	swait.ge [sflag:s23], $0x1  }
0xa3: {  	[sflag:s23] =	ssyncset.done $0x0  }
0xa4: {  	s25 =	simm.s32 $0x1B8E;
	s24 =	sld [smem:$0x3FFE];
	[sflag:s23] =	ssyncadd.s32 $0xFFFFFFFF  }
0xa5: {  	s26 =	simm.s32 $execute0_lowered;
	[smem:$0x3FD2] =	sst s25  }
0xa6: {  	s5 =	sshll.u32 s26, $0x1;
	_ =	strace $0x80000046;
	[dreg:$0x1] =	wrdreg $0xFFFFFFFF  }
0xa7: {  	s28 =	simm.s32 $_size_execute0_lowered;
	s3 =	sadd.s32 s3, s5;
	[dreg:$0x0] =	wrdreg $0x0  }
0xa8: {  	s5 =	sshll.u32 s28, $0x1;
	[dreg:$0x2] =	wrdreg s3  }
0xa9: {  	[dreg:$0x3] =	wrdreg s5  }
0xaa: {  	[dreg:$0x4] =	wrdreg $0xC0  }
0xab: {  	_ =	task [dreg:s7], $0x5FFFF  }
0xac: {  	[dreg:$0x1] =	wrdreg $0xFFFFFFFF  }
0xad: {  	[dreg:$0x0] =	wrdreg $0x60  }
0xae: {  	[dreg:$0x2] =	wrdreg s24  }
0xaf: {  	[dreg:$0x3] =	wrdreg s2  }
0xb0: {  	[dreg:$0x4] =	wrdreg $0x9  }
0xb1: {  	_ =	task.clear_ibuf [dreg:s7], $0x5FFFF;
	_ =	strace $0x90000046  }
0xb2: {  	s29 =	simm.s32 $0x9;
	_ =	strace $0x80000048  }
0xb3: {  	_ =	swait.ge [sflag:s29], $0x1  }
0xb4: {  	[sflag:s29] =	ssyncadd.s32 $0xFFFFFFFF  }
0xb5: {  	_ =	strace $0x90000048  }
0xb6: {  	_ =	sfence  }
0xb7: {  	s30 =	sld [smem:$0x0];
	_ =	sdelay $0x2  }
0xb8: {  	s31 =	sshll.u32 s1, $0xD;
	s1 =	sshrl.u32 s1, $0x2  }
0xb9: {  	s3 =	sand.u32 $0x4000, s31;
	s1 =	sadd.s32 s1, s30  }
0xba: {  	s0 =	sor.u32 s3, s0;
	s1 =	sshll.u32 s1, $0x11  }
0xbb: {  	s0 =	sor.u32 s1, s0  }
0xbc: {  	s0 =	sadd.s32 $0x8F2B, s0  }
0xbd: {  	[sflag:s0] =	ssyncadd.remote.s32 $0x1  }
0xbe: {  	_ =	sfence.sel $0xFFFF  }
0xbf: {  	[dreg:$0x0] =	wrdreg $0xFFFFFFFF;
	(pc) =	sbr.abs _section_cstart, $3  }
0xc0: {  	[dreg:$0x1] =	wrdreg $0xFFFFFFFF  }
0xc1: {  	_ =	task.clear_ibuf [dreg:s7], $0x2FFFF;
	_ =	strace $0x9FFFFFFF  }
0xc2: {  	(tm) =	ssettm $0x7FFFFFFF  }
0xc3: {  	_ =	shalt  }
tec
execute0_lowered:
.L_overlay_start_1:
0x0: {  	(tag) =	ssettag $0x1  }
0x1: {  	s1 =	srdreg.scid  }
0x2: {  	s5 =	rddreg [dreg:$0x0];
	s0 =	stileid.u32  }
0x3: {  	s3 =	rddreg [dreg:$0x1];
	s2 =	simm.s32 $0x0;
	s8 =	simm.s32 $0x80  }
0x4: {  	s26 =	simm.s32 $0x880;
	s9 =	simm.s32 $0x1080;
	s10 =	simm.s32 $0x1880  }
0x5: {  	s11 =	simm.s32 $0x2080;
	s12 =	simm.s32 $0x2880;
	s13 =	simm.s32 $0x3080  }
0x6: {  	s14 =	simm.s32 $0x3880;
	s15 =	simm.s32 $0x4080;
	s16 =	simm.s32 $0x4880  }
0x7: {  	s17 =	simm.s32 $0x5080;
	s18 =	simm.s32 $0x5880;
	s19 =	simm.s32 $0x6080  }
0x8: {  	s20 =	simm.s32 $0x6880;
	s21 =	simm.s32 $0x7080;
	s22 =	simm.s32 $0x7880  }
0x9: {  	s23 =	simm.s32 $0x8080;
	s24 =	simm.s32 $0x8880;
	s25 =	simm.s32 $0x9080  }
0xa: {  	s28 =	simm.s32 $0xA080;
	s29 =	simm.s32 $0xA880;
	s30 =	simm.s32 $0xB080  }
0xb: {  	s31 =	simm.s32 $0xB880;
	s1 =	sand.u32 $0x1, s1;
	[smem:$0x7FF] =	sst s2  }
0xc: {  	s4 =	sshll.u32 s0, $0x4;
	s6 =	sshll.u32 s1, $0x3;
	_ =	strace $0x80000047  }
0xd: {  	s1 =	ssub.s32 $0x2, s1;
	[dreg:$0x5] =	wrdreg s26;
	s4 =	sor.u32 s6, s4  }
0xe: {  	s7 =	sshrl.u32 s1, $0x1;
	s6 =	sadd.s32 s4, s5;
	s4 =	smul.u32 $0x300, s4  }
0xf: {  	s26 =	simm.s32 $0x9880;
	s1 =	ssub.s32 s1, s7;
	s6 =	sadd.s32 $0x1200, s6  }
0x10: {  	v2 =	vlaneseq.u32;
	s7 =	simm.s32 $0x2;
	[dreg:$0x3] =	wrdreg s6;
	s4 =	sadd.s32 s3, s4  }
0x11: {  	vm0 =	vmmov $0xffff;
	v1 =	vshrl.u32 v2, $0x3;
	s3 =	sadd.s32 $0x1400, s5;
	s6 =	smax.u32 s1, $0x1;
	s1 =	simm.s32 $0x1  }
0x12: {  	v0 =	vand.u32 $0x7, v2;
	v2 =	vor.u32 $0x8, v2;
	v1 =	vmul.u32 $0x8, v1;
	[dreg:$0x4] =	wrdreg s4;
	s4 =	sadd.s32 $0x1500, s5;
	s5 =	sadd.s32 $0x1600, s5  }
.LBB2_1:
0x13: {  	s0 =	rddreg [dreg:$0x3]  }
0x14: {  	[tilespmem:s2], [sflag:$0x2] =	stream.linear.gather [hbm4b:s0+s2], $0x40, $0x38;
	[tilespmem:$0xC080] =	vst v63  }
0x15: {  	_ =	swait.ge [sflag:s7], $0x40  }
0x16: {  	[sflag:s7] =	ssyncset.done $0x0  }
0x17: {  	s0 =	rddreg [dreg:$0x4];
	[sflag:s7] =	ssyncadd.s32 $0xFFFFFFC0  }
0x18: {  	[tilespmem:s8], [sflag:$0x2] =	stream.linear.gather [hbm4b:s0+s2], $0xC000, $0x38;
	[tilespmem:$0xC080] =	vst v63  }
0x19: {  	_ =	swait.ge [sflag:s7], $0xC000  }
0x1a: {  	[sflag:s7] =	ssyncset.done $0x0  }
0x1b: {  	[sflag:s7] =	ssyncadd.s32 $0xFFFF4000  }
0x1c: {  	v3 =	vld [tilespmem:$0x0];
	_ =	sdelay $0x4  }
0x1d: {  	v4 =	vshrl.u32 v3, $0x3  }
0x1e: {  	v4 =	vmul.u32 $0x30, v4  }
0x1f: {  	v3 =	vand.u32 $0x7, v3  }
0x20: {  	v3 =	vor.u32 v3, v4  }
0x21: {  	v4 =	vperm.xlane v3, v0;
	_ =	sdelay $0x1  }
0x22: {  	v4 =	vadd.s32 v1, v4;
	_ =	sdelay $0x3  }
0x23: {  	v3 =	vperm.xlane v3, v2  }
0x24: {  	[hbm4b:s3+s2] =	stream.indirect_vreg.scatter [tilespmem:s8], [sflag:$0x1], $0x80, v4, vm0, $0xb8;
	[tilespmem:$0xC080] =	vst v63  }
0x25: {  	s0 =	rddreg [dreg:$0x5];
	v3 =	vadd.s32 v1, v3  }
0x26: {  	[hbm4b:s4+s2] =	stream.indirect_vreg.scatter [tilespmem:s0], [sflag:$0x1], $0x80, v4, vm0, $0xb8;
	[tilespmem:$0xC080] =	vst v63  }
0x27: {  	_ = 	snop  }
0x28: {  	[hbm4b:s5+s2] =	stream.indirect_vreg.scatter [tilespmem:s9], [sflag:$0x1], $0x80, v4, vm0, $0xb8;
	[tilespmem:$0xC080] =	vst v63  }
0x29: {  	_ = 	snop  }
0x2a: {  	[hbm4b:s3+s2] =	stream.indirect_vreg.scatter [tilespmem:s10], [sflag:$0x1], $0x80, v3, vm0, $0xb8;
	[tilespmem:$0xC080] =	vst v63  }
0x2b: {  	_ = 	snop  }
0x2c: {  	[hbm4b:s4+s2] =	stream.indirect_vreg.scatter [tilespmem:s11], [sflag:$0x1], $0x80, v3, vm0, $0xb8;
	[tilespmem:$0xC080] =	vst v63  }
0x2d: {  	_ = 	snop  }
0x2e: {  	[hbm4b:s5+s2] =	stream.indirect_vreg.scatter [tilespmem:s12], [sflag:$0x1], $0x80, v3, vm0, $0xb8;
	[tilespmem:$0xC080] =	vst v63  }
0x2f: {  	v3 =	vld [tilespmem:$0x10];
	_ =	sdelay $0x4  }
0x30: {  	v61 =	vshrl.u32 v3, $0x3  }
0x31: {  	v4 =	vmul.u32 $0x30, v61  }
0x32: {  	v3 =	vand.u32 $0x7, v3  }
0x33: {  	v3 =	vor.u32 v3, v4  }
0x34: {  	v4 =	vperm.xlane v3, v0;
	_ =	sdelay $0x1  }
0x35: {  	v4 =	vadd.s32 v1, v4;
	_ =	sdelay $0x3  }
0x36: {  	v3 =	vperm.xlane v3, v2  }
0x37: {  	[hbm4b:s3+s2] =	stream.indirect_vreg.scatter [tilespmem:s13], [sflag:$0x1], $0x80, v4, vm0, $0xb8;
	[tilespmem:$0xC080] =	vst v63  }
0x38: {  	v3 =	vadd.s32 v1, v3  }
0x39: {  	[hbm4b:s4+s2] =	stream.indirect_vreg.scatter [tilespmem:s14], [sflag:$0x1], $0x80, v4, vm0, $0xb8;
	[tilespmem:$0xC080] =	vst v63  }
0x3a: {  	_ = 	snop  }
0x3b: {  	[hbm4b:s5+s2] =	stream.indirect_vreg.scatter [tilespmem:s15], [sflag:$0x1], $0x80, v4, vm0, $0xb8;
	[tilespmem:$0xC080] =	vst v63  }
0x3c: {  	_ = 	snop  }
0x3d: {  	[hbm4b:s3+s2] =	stream.indirect_vreg.scatter [tilespmem:s16], [sflag:$0x1], $0x80, v3, vm0, $0xb8;
	[tilespmem:$0xC080] =	vst v63  }
0x3e: {  	_ = 	snop  }
0x3f: {  	[hbm4b:s4+s2] =	stream.indirect_vreg.scatter [tilespmem:s17], [sflag:$0x1], $0x80, v3, vm0, $0xb8;
	[tilespmem:$0xC080] =	vst v63  }
0x40: {  	_ = 	snop  }
0x41: {  	[hbm4b:s5+s2] =	stream.indirect_vreg.scatter [tilespmem:s18], [sflag:$0x1], $0x80, v3, vm0, $0xb8;
	[tilespmem:$0xC080] =	vst v63  }
0x42: {  	v3 =	vld [tilespmem:$0x20];
	_ =	sdelay $0x4  }
0x43: {  	v62 =	vshrl.u32 v3, $0x3  }
0x44: {  	v4 =	vmul.u32 $0x30, v62  }
0x45: {  	v3 =	vand.u32 $0x7, v3  }
0x46: {  	v3 =	vor.u32 v3, v4  }
0x47: {  	v4 =	vperm.xlane v3, v0;
	_ =	sdelay $0x1  }
0x48: {  	v4 =	vadd.s32 v1, v4;
	_ =	sdelay $0x3  }
0x49: {  	v3 =	vperm.xlane v3, v2  }
0x4a: {  	[hbm4b:s3+s2] =	stream.indirect_vreg.scatter [tilespmem:s19], [sflag:$0x1], $0x80, v4, vm0, $0xb8;
	[tilespmem:$0xC080] =	vst v63  }
0x4b: {  	v3 =	vadd.s32 v1, v3  }
0x4c: {  	[hbm4b:s4+s2] =	stream.indirect_vreg.scatter [tilespmem:s20], [sflag:$0x1], $0x80, v4, vm0, $0xb8;
	[tilespmem:$0xC080] =	vst v63  }
0x4d: {  	_ = 	snop  }
0x4e: {  	[hbm4b:s5+s2] =	stream.indirect_vreg.scatter [tilespmem:s21], [sflag:$0x1], $0x80, v4, vm0, $0xb8;
	[tilespmem:$0xC080] =	vst v63  }
0x4f: {  	_ = 	snop  }
0x50: {  	[hbm4b:s3+s2] =	stream.indirect_vreg.scatter [tilespmem:s22], [sflag:$0x1], $0x80, v3, vm0, $0xb8;
	[tilespmem:$0xC080] =	vst v63  }
0x51: {  	_ = 	snop  }
0x52: {  	[hbm4b:s4+s2] =	stream.indirect_vreg.scatter [tilespmem:s23], [sflag:$0x1], $0x80, v3, vm0, $0xb8;
	[tilespmem:$0xC080] =	vst v63  }
0x53: {  	_ = 	snop  }
0x54: {  	[hbm4b:s5+s2] =	stream.indirect_vreg.scatter [tilespmem:s24], [sflag:$0x1], $0x80, v3, vm0, $0xb8;
	[tilespmem:$0xC080] =	vst v63  }
0x55: {  	v3 =	vld [tilespmem:$0x30];
	_ =	sdelay $0x4  }
0x56: {  	v63 =	vshrl.u32 v3, $0x3  }
0x57: {  	v4 =	vmul.u32 $0x30, v63  }
0x58: {  	v3 =	vand.u32 $0x7, v3  }
0x59: {  	v3 =	vor.u32 v3, v4  }
0x5a: {  	v4 =	vperm.xlane v3, v0;
	_ =	sdelay $0x1  }
0x5b: {  	v4 =	vadd.s32 v1, v4;
	_ =	sdelay $0x3  }
0x5c: {  	v3 =	vperm.xlane v3, v2  }
0x5d: {  	[hbm4b:s3+s2] =	stream.indirect_vreg.scatter [tilespmem:s25], [sflag:$0x1], $0x80, v4, vm0, $0xb8;
	[tilespmem:$0xC080] =	vst v63  }
0x5e: {  	v3 =	vadd.s32 v1, v3  }
0x5f: {  	[hbm4b:s4+s2] =	stream.indirect_vreg.scatter [tilespmem:s26], [sflag:$0x1], $0x80, v4, vm0, $0xb8;
	[tilespmem:$0xC080] =	vst v63  }
0x60: {  	_ = 	snop  }
0x61: {  	[hbm4b:s5+s2] =	stream.indirect_vreg.scatter [tilespmem:s28], [sflag:$0x1], $0x80, v4, vm0, $0xb8;
	[tilespmem:$0xC080] =	vst v63  }
0x62: {  	_ = 	snop  }
0x63: {  	[hbm4b:s3+s2] =	stream.indirect_vreg.scatter [tilespmem:s29], [sflag:$0x1], $0x80, v3, vm0, $0xb8;
	[tilespmem:$0xC080] =	vst v63  }
0x64: {  	p0 =	sne.s32 s6, $0x1  }
0x65: {  	[hbm4b:s4+s2] =	stream.indirect_vreg.scatter [tilespmem:s30], [sflag:$0x1], $0x80, v3, vm0, $0xb8;
	[tilespmem:$0xC080] =	vst v63  }
.Ltmp0:
0x66: {  	_ = 	snop;
	(pc) =	sbr.rel @p0 .LBB2_1-.Ltmp0, $4  }
0x67: {  	[hbm4b:s5+s2] =	stream.indirect_vreg.scatter [tilespmem:s31], [sflag:$0x1], $0x80, v3, vm0, $0xb8;
	[tilespmem:$0xC080] =	vst v63  }
0x68: {  	_ =	swait.ge [sflag:s1], $0xC000  }
0x69: {  	[sflag:s1] =	ssyncset.done $0x0  }
0x6a: {  	s6 =	sadd.s32 $0xFFFFFFFF, s6;
	[sflag:s1] =	ssyncadd.s32 $0xFFFF4000  }
0x6b: {  	_ =	sfence.sel $0x180000  }
0x6c: {  	[bflag:$0x0] =	sbarrier.arrive $0xFFFF  }
0x6d: {  	_ =	strace $0x90000047  }
0x6e: {  	s0 =	stileid.u32;
	[bflag:$0x2] =	sbarrier.arrive $0xFFFF  }
0x6f: {  	p0 =	sne.s32 s0, $0x0;
	s0 =	rddreg [dreg:$0x2]  }
0x70: {  	s0 =	sadd.s32 @!p0 $0x100000, s0  }
0x71: {  	[sflag:s0] =	ssyncadd.tile.s32 @!p0 $0x1;
	_ =	shalt  }
.Lfunc_end2:
_tile_overlayer_lowered:
.L_overlay_start_2:
0x72: {  	(tag) =	ssettag $0x2  }
0x73: {  	s0 =	rddreg [dreg:$0x0];
	s2 =	stileid.u32  }
0x74: {  	s1 =	rddreg [dreg:$0x1];
	p0 =	sne.s32 s2, $0x0  }
0x75: {  	s3 =	rddreg [dreg:$0x2];
	[bflag:$0x3] =	sbarrier.arrive $0xFFFF;
	s2 =	simm.s32 @!p0 $0x1C02  }
0x76: {  	[timem:s3], [sflag:s2] =	dma.local @!p0 [hbm:s0], s1  }
0x77: {  	s0 =	simm.s32 @!p0 $0x2  }
0x78: {  	_ =	swait.ge @!p0 [sflag:s0], s1  }
0x79: {  	s1 =	ssub.s32 @!p0 $0x0, s1;
	[sflag:s0] =	ssyncset.done @!p0 $0x0  }
0x7a: {  	[sflag:s0] =	ssyncadd.s32 @!p0 s1  }
0x7b: {  	[bflag:$0x3] =	sbarrier.arrive $0xFFFF  }
0x7c: {  	_ =	shalt  }

// kernel: kernel.9.cloned.1.call-start
scs
__scs_entry_jumppad:
0x0: {  	(pc) =	sbr.rel $0x88, $3  }
0x1: {  	(tag) =	ssettag $0x0;
	lr =	simm.s32 $0x1  }
0x2: {  	[smem:$0x3F9C] =	sst lr;
	_ =	strace $0xD0000000  }
0x3: {  	_ = 	snop  }
0x4: {  	_ = 	snop  }
0x5: {  	_ = 	snop  }
0x6: {  	_ = 	snop  }
0x7: {  	_ = 	snop  }
__scs_overlays_trampoline_lowered:
0x8: {  	[smem:$0x3FAB] =	sst s0  }
0x9: {  	[smem:$0x3FAC] =	sst s1  }
0xa: {  	[smem:$0x3FAD] =	sst s2  }
0xb: {  	[smem:$0x3FAE] =	sst s3  }
0xc: {  	[smem:$0x3FAF] =	sst s4  }
0xd: {  	[smem:$0x3FB0] =	sst s5  }
0xe: {  	[smem:$0x3FB1] =	sst s6  }
0xf: {  	[smem:$0x3FB2] =	sst s7  }
0x10: {  	[smem:$0x3FB3] =	sst s8  }
0x11: {  	[smem:$0x3FB4] =	sst s9;
	s0 =	simm.s32 @!p0 $0x0  }
0x12: {  	s1 =	sld [smem:$0x3F9A];
	s0 =	simm.s32 @p0 $0x1  }
0x13: {  	[smem:$0x3FB5] =	sst s0;
	s0 =	simm.s32 @!p1 $0x0  }
0x14: {  	s2 =	sld [smem:$0x3F99];
	s0 =	simm.s32 @p1 $0x1  }
0x15: {  	[smem:$0x3FB6] =	sst s0;
	s0 =	simm.s32 @!p2 $0x0  }
0x16: {  	s3 =	sld [smem:$0x3FDB];
	s0 =	simm.s32 @p2 $0x1  }
0x17: {  	s4 =	simm.s32 $0x1BF5;
	[smem:$0x3FB8] =	sst s0  }
0x18: {  	s0 =	sld [smem:$0x3F9B];
	_ =	swait.ge [sflag:s4], $0x0  }
0x19: {  	s7 =	sld [smem:$0x3F9C]  }
0x1a: {  	s8 =	sadd.s32 $0xFFFFE003, lr  }
0x1b: {  	s9 =	sadd.s32 $0xFFFFFEF7, lr;
	s5 =	simm.s32 $0xFFFFFFFF;
	p2 =	slt.u32 s8, $0xFFFFF086  }
0x1c: {  	p1 =	slt.u32 s9, $0xF7A;
	s5 =	simm.s32 @!p2 $0x0  }
0x1d: {  	s5 =	simm.s32 @p1 $0x1;
	p0 =	seq.s32 s7, s2  }
0x1e: {  	s7 =	smul.u32 @!p0 $0xF7A, s2;
	p2 =	seq.s32 @!p0 s5, $0x0  }
0x1f: {  	s9 =	smul.u32 $0xF7A, s1;
	s8 =	simm.s32 @!p0 $0x1BF5;
	p2 =	por !p2, p0  }
0x20: {  	[sflag:s8] =	ssyncset.s32 @!p0 $0xFFFFF086;
	s6 =	sadd.s32 @!p0 s3, s7;
	s7 =	simm.s32 @!p0 $0x108  }
0x21: {  	s3 =	sadd.s32 s3, s9;
	s6 =	sadd.s32 @!p0 $0x88, s6;
	s7 =	simm.s32 @p2 $0x1082  }
0x22: {  	[simem:s7], [sflag:s8] =	dma.local @!p0 [hbm:s6], $0xF7A  }
0x23: {  	s9 =	sor.u32 $0xD0000000, s2;
	s6 =	simm.s32 $0x108;
	_ =	swait.ge @!p0 [sflag:s8], $0x0  }
0x24: {  	s3 =	sadd.s32 $0x88, s3;
	s6 =	simm.s32 @!p1 $0x1082;
	[sflag:s4] =	ssyncset.s32 $0xFFFFF086  }
0x25: {  	[simem:s6], [sflag:s4] =	dma.local [hbm:s3], $0xF7A  }
0x26: {  	[smem:$0x3F9C] =	sst s1;
	(tag) =	ssettag s2;
	_ =	strace s9  }
0x27: {  	s1 =	sld [smem:$0x3FAC]  }
0x28: {  	s2 =	sld [smem:$0x3FAD]  }
0x29: {  	s4 =	sld [smem:$0x3FAF]  }
0x2a: {  	p0 =	seq.s32 s5, $0x0;
	s5 =	sld [smem:$0x3FB0]  }
0x2b: {  	s6 =	sld [smem:$0x3FB1]  }
0x2c: {  	s7 =	sld [smem:$0x3FB2]  }
0x2d: {  	s3 =	simm.s32 $0x108;
	s8 =	sld [smem:$0x3FB3]  }
0x2e: {  	s3 =	simm.s32 @!p0 $0x1082;
	s9 =	sld [smem:$0x3FB4]  }
0x2f: {  	lr =	sadd.s32 s0, s3;
	s0 =	sld [smem:$0x3FAB]  }
0x30: {  	s3 =	sld [smem:$0x3FAE]  }
0x31: {  	[smem:$0x3FB7] =	sst s10  }
0x32: {  	s10 =	sld [smem:$0x3FB5];
	_ =	sdelay $0x3  }
0x33: {  	p0 =	seq.s32 s10, $0x1;
	s10 =	sld [smem:$0x3FB7];
	_ =	sdelay $0x3  }
0x34: {  	[smem:$0x3FB7] =	sst s10  }
0x35: {  	s10 =	sld [smem:$0x3FB6];
	_ =	sdelay $0x3  }
0x36: {  	p1 =	seq.s32 s10, $0x1;
	s10 =	sld [smem:$0x3FB7];
	_ =	sdelay $0x3  }
0x37: {  	[smem:$0x3FB7] =	sst s10  }
0x38: {  	s10 =	sld [smem:$0x3FB8]  }
0x39: {  	_ = 	snop;
	(pc) =	sbr.ind lr, $3  }
0x3a: {  	_ = 	snop  }
0x3b: {  	_ = 	snop  }
0x3c: {  	p2 =	seq.s32 s10, $0x1;
	s10 =	sld [smem:$0x3FB7]  }
0x3d: {  	_ =	shalt  }
0x3e: {  	_ =	shalt  }
0x3f: {  	_ =	shalt  }
0x40: {  	_ =	shalt  }
0x41: {  	_ =	shalt  }
0x42: {  	_ =	shalt  }
0x43: {  	_ =	shalt  }
0x44: {  	_ =	shalt  }
0x45: {  	_ =	shalt  }
0x46: {  	_ =	shalt  }
0x47: {  	_ =	shalt  }
0x48: {  	_ =	shalt  }
0x49: {  	_ =	shalt  }
0x4a: {  	_ =	shalt  }
0x4b: {  	_ =	shalt  }
0x4c: {  	_ =	shalt  }
0x4d: {  	_ =	shalt  }
0x4e: {  	_ =	shalt  }
0x4f: {  	_ =	shalt  }
0x50: {  	_ =	shalt  }
0x51: {  	_ =	shalt  }
0x52: {  	_ =	shalt  }
0x53: {  	_ =	shalt  }
0x54: {  	_ =	shalt  }
0x55: {  	_ =	shalt  }
0x56: {  	_ =	shalt  }
0x57: {  	_ =	shalt  }
0x58: {  	_ =	shalt  }
0x59: {  	_ =	shalt  }
0x5a: {  	_ =	shalt  }
0x5b: {  	_ =	shalt  }
0x5c: {  	_ =	shalt  }
0x5d: {  	_ =	shalt  }
0x5e: {  	_ =	shalt  }
0x5f: {  	_ =	shalt  }
0x60: {  	_ =	shalt  }
0x61: {  	_ =	shalt  }
0x62: {  	_ =	shalt  }
0x63: {  	_ =	shalt  }
0x64: {  	_ =	shalt  }
0x65: {  	_ =	shalt  }
0x66: {  	_ =	shalt  }
0x67: {  	_ =	shalt  }
0x68: {  	_ =	shalt  }
0x69: {  	_ =	shalt  }
0x6a: {  	_ =	shalt  }
0x6b: {  	_ =	shalt  }
0x6c: {  	_ =	shalt  }
0x6d: {  	_ =	shalt  }
0x6e: {  	_ =	shalt  }
0x6f: {  	_ =	shalt  }
0x70: {  	_ =	shalt  }
0x71: {  	_ =	shalt  }
0x72: {  	_ =	shalt  }
0x73: {  	_ =	shalt  }
0x74: {  	_ =	shalt  }
0x75: {  	_ =	shalt  }
0x76: {  	_ =	shalt  }
0x77: {  	_ =	shalt  }
0x78: {  	_ =	shalt  }
0x79: {  	_ =	shalt  }
0x7a: {  	_ =	shalt  }
0x7b: {  	_ =	shalt  }
0x7c: {  	_ =	shalt  }
0x7d: {  	_ =	shalt  }
0x7e: {  	_ =	shalt  }
0x7f: {  	_ =	shalt  }
0x80: {  	_ =	shalt  }
0x81: {  	_ =	shalt  }
0x82: {  	_ =	shalt  }
0x83: {  	_ =	shalt  }
0x84: {  	_ =	shalt  }
0x85: {  	_ =	shalt  }
0x86: {  	_ =	shalt  }
0x87: {  	_ =	shalt  }
.Lfunc_end0:
.L_simem_size_0:
called_computation.1_lowered:
.L_overlay_start_0:
0x88: {  	s2 =	sld [smem:$0x3FD9]  }
0x89: {  	s3 =	sld [smem:$0x3FFE];
	_ =	sdelay $0x1  }
0x8a: {  	s1 =	srdreg.scid  }
0x8b: {  	s0 =	sand.u32 $0x1, s1  }
0x8c: {  	s17 =	sshll.u32 s0, $0xA;
	s2 =	sadd.s32 s3, s2  }
0x8d: {  	s2 =	sadd.s32 s2, s17  }
0x8e: {  	[smem:$0x3FC3] =	sst s2  }
0x8f: {  	_ = 	snop  }
0x90: {  	s2 =	sld [smem:$0x3FD0];
	(tm) =	ssettm $0x1  }
0x91: {  	s18 =	sld [smem:$0x3FFB];
	_ =	sdelay $0x3  }
0x92: {  	_ =	strace s18  }
0x93: {  	s3 =	sld [smem:$0x3FFC];
	_ =	sdelay $0x3  }
0x94: {  	_ =	strace s3  }
0x95: {  	s3 =	sld [smem:$0x3FFD];
	_ =	sdelay $0x3  }
0x96: {  	_ =	strace s3  }
0x97: {  	_ =	strace $0x8FFFFFFF  }
0x98: {  	s19 =	sld [smem:$0x3FDB];
	_ =	sdelay $0x1  }
0x99: {  	s4 =	simm.s32 $_scs_section_size  }
0x9a: {  	s5 =	simm.s32 $_size__tile_overlayer_lowered;
	s6 =	simm.s32 $_tile_overlayer_lowered  }
0x9b: {  	s22 =	simm.s32 $0x1BFF;
	s21 =	sshll.u32 s6, $0x1;
	s3 =	sadd.s32 s4, s19  }
0x9c: {  	s7 =	simm.s32 $0x0;
	s20 =	sshll.u32 s5, $0x1;
	s5 =	sadd.s32 s21, s3  }
0x9d: {  	[timem:s7], [sflag:s22] =	dma.local [hbm:s5], s20  }
0x9e: {  	_ =	swait.ge [sflag:s22], s20  }
0x9f: {  	s4 =	ssub.s32 $0x0, s20;
	[sflag:s22] =	ssyncset.done $0x0  }
0xa0: {  	[sflag:s22] =	ssyncadd.s32 s4;
	_ =	sdelay $0x1  }
0xa1: {  	s23 =	simm.s32 $0x1B8B  }
0xa2: {  	_ =	swait.ge [sflag:s23], $0x1  }
0xa3: {  	[sflag:s23] =	ssyncset.done $0x0  }
0xa4: {  	s25 =	simm.s32 $0x1B8E;
	s24 =	sld [smem:$0x3FFE];
	[sflag:s23] =	ssyncadd.s32 $0xFFFFFFFF  }
0xa5: {  	s26 =	simm.s32 $execute0_lowered;
	[smem:$0x3FD2] =	sst s25  }
0xa6: {  	s5 =	sshll.u32 s26, $0x1;
	_ =	strace $0x80000049;
	[dreg:$0x1] =	wrdreg $0xFFFFFFFF  }
0xa7: {  	s28 =	simm.s32 $_size_execute0_lowered;
	s3 =	sadd.s32 s3, s5;
	[dreg:$0x0] =	wrdreg $0x0  }
0xa8: {  	s5 =	sshll.u32 s28, $0x1;
	[dreg:$0x2] =	wrdreg s3  }
0xa9: {  	[dreg:$0x3] =	wrdreg s5  }
0xaa: {  	[dreg:$0x4] =	wrdreg $0xC0  }
0xab: {  	_ =	task [dreg:s7], $0x5FFFF  }
0xac: {  	[dreg:$0x1] =	wrdreg $0xFFFFFFFF  }
0xad: {  	[dreg:$0x0] =	wrdreg $0x60  }
0xae: {  	[dreg:$0x2] =	wrdreg s24  }
0xaf: {  	[dreg:$0x3] =	wrdreg s2  }
0xb0: {  	[dreg:$0x4] =	wrdreg $0x9  }
0xb1: {  	_ =	task.clear_ibuf [dreg:s7], $0x5FFFF;
	_ =	strace $0x90000049  }
0xb2: {  	s29 =	simm.s32 $0x9;
	_ =	strace $0x8000004B  }
0xb3: {  	_ =	swait.ge [sflag:s29], $0x1  }
0xb4: {  	[sflag:s29] =	ssyncadd.s32 $0xFFFFFFFF  }
0xb5: {  	_ =	strace $0x9000004B  }
0xb6: {  	_ =	sfence  }
0xb7: {  	s30 =	sld [smem:$0x0];
	_ =	sdelay $0x2  }
0xb8: {  	s31 =	sshll.u32 s1, $0xD;
	s1 =	sshrl.u32 s1, $0x2  }
0xb9: {  	s3 =	sand.u32 $0x4000, s31;
	s1 =	sadd.s32 s1, s30  }
0xba: {  	s0 =	sor.u32 s3, s0;
	s1 =	sshll.u32 s1, $0x11  }
0xbb: {  	s0 =	sor.u32 s1, s0  }
0xbc: {  	s0 =	sadd.s32 $0x8F2B, s0  }
0xbd: {  	[sflag:s0] =	ssyncadd.remote.s32 $0x1  }
0xbe: {  	_ =	sfence.sel $0xFFFF  }
0xbf: {  	[dreg:$0x0] =	wrdreg $0xFFFFFFFF;
	(pc) =	sbr.abs _section_cstart, $3  }
0xc0: {  	[dreg:$0x1] =	wrdreg $0xFFFFFFFF  }
0xc1: {  	_ =	task.clear_ibuf [dreg:s7], $0x2FFFF;
	_ =	strace $0x9FFFFFFF  }
0xc2: {  	(tm) =	ssettm $0x7FFFFFFF  }
0xc3: {  	_ =	shalt  }
tec
execute0_lowered:
.L_overlay_start_1:
0x0: {  	(tag) =	ssettag $0x1  }
0x1: {  	s0 =	rddreg [dreg:$0x0]  }
0x2: {  	s4 =	rddreg [dreg:$0x1];
	s2 =	simm.s32 $0x0;
	s3 =	srdreg.scid  }
0x3: {  	s1 =	stileid.u32;
	s22 =	simm.s32 $0x900;
	s23 =	simm.s32 $0x1100  }
0x4: {  	s24 =	simm.s32 $0x1900;
	s25 =	simm.s32 $0x2100;
	s26 =	simm.s32 $0x2900  }
0x5: {  	s10 =	simm.s32 $0x3900;
	s11 =	simm.s32 $0x4100;
	s12 =	simm.s32 $0x4900  }
0x6: {  	s13 =	simm.s32 $0x5100;
	s14 =	simm.s32 $0x5900;
	s15 =	simm.s32 $0x80  }
0x7: {  	s16 =	simm.s32 $0x6100;
	s28 =	simm.s32 $0xB900;
	[smem:$0x7FF] =	sst s2  }
0x8: {  	s29 =	simm.s32 $0x1;
	_ =	strace $0x8000004A;
	[dreg:$0x7] =	wrdreg s22  }
0x9: {  	s30 =	simm.s32 $0x2;
	s31 =	simm.s32 $0x3;
	[dreg:$0x8] =	wrdreg s23  }
0xa: {  	s5 =	sand.u32 $0x1, s3;
	s3 =	sadd.s32 $0xF1400, s0;
	[dreg:$0x9] =	wrdreg s24  }
0xb: {  	s6 =	sshll.u32 s1, $0x4;
	s8 =	sadd.s32 $0x1200, s0;
	[dreg:$0xa] =	wrdreg s25  }
0xc: {  	s7 =	sshll.u32 s5, $0x3;
	s5 =	ssub.s32 $0x2, s5;
	[dreg:$0xb] =	wrdreg s26  }
0xd: {  	s22 =	simm.s32 $0x9100;
	s23 =	simm.s32 $0x9900;
	s24 =	simm.s32 $0xA100  }
0xe: {  	s25 =	simm.s32 $0xA900;
	s26 =	simm.s32 $0xB100;
	s6 =	sor.u32 s7, s6  }
0xf: {  	s19 =	sshrl.u32 s5, $0x1;
	s7 =	sadd.s32 s8, s6;
	s9 =	sor.u32 $0x4, s6  }
0x10: {  	s6 =	smul.u32 $0x300, s6;
	s20 =	ssub.s32 s5, s19;
	s5 =	sadd.s32 $0xF1600, s0  }
0x11: {  	s19 =	simm.s32 $0x7900;
	[dreg:$0x3] =	wrdreg s7;
	s17 =	sadd.s32 s8, s9  }
0x12: {  	s18 =	smul.u32 $0x300, s9;
	s7 =	simm.s32 $0x5;
	s8 =	simm.s32 $0x100  }
0x13: {  	[dreg:$0x4] =	wrdreg s17;
	s6 =	sadd.s32 s4, s6;
	s17 =	simm.s32 $0x6900  }
0x14: {  	v2 =	vlaneseq.u32;
	[dreg:$0x5] =	wrdreg s6;
	s21 =	sadd.s32 s4, s18;
	s4 =	sadd.s32 $0xF1500, s0  }
0x15: {  	vm0 =	vmmov $0xffff;
	v1 =	vshrl.u32 v2, $0x3;
	s6 =	smax.u32 s20, $0x1;
	s18 =	simm.s32 $0x7100;
	s20 =	simm.s32 $0x8100  }
0x16: {  	v0 =	vand.u32 $0x7, v2;
	v2 =	vor.u32 $0x8, v2;
	v1 =	vmul.u32 $0x8, v1;
	s0 =	simm.s32 $0x4;
	[dreg:$0x6] =	wrdreg s21;
	s21 =	simm.s32 $0x8900  }
.LBB2_1:
0x17: {  	s1 =	rddreg [dreg:$0x3]  }
0x18: {  	[tilespmem:s2], [sflag:$0x5] =	stream.linear.gather [hbm4b:s1+s2], $0x20, $0x38;
	[tilespmem:$0xC100] =	vst v63  }
0x19: {  	_ =	swait.ge [sflag:s7], $0x20  }
0x1a: {  	[sflag:s7] =	ssyncset.done $0x0  }
0x1b: {  	[sflag:s7] =	ssyncadd.s32 $0xFFFFFFE0  }
0x1c: {  	v3 =	vld [tilespmem:$0x0];
	_ =	sdelay $0x4  }
0x1d: {  	v4 =	vshrl.u32 v3, $0x3  }
0x1e: {  	v4 =	vmul.u32 $0x30, v4  }
0x1f: {  	v3 =	vand.u32 $0x7, v3  }
0x20: {  	v3 =	vor.u32 v3, v4  }
0x21: {  	v4 =	vperm.xlane v3, v0;
	_ =	sdelay $0x1  }
0x22: {  	v4 =	vadd.s32 v1, v4;
	_ =	sdelay $0x3  }
0x23: {  	v3 =	vperm.xlane v3, v2  }
0x24: {  	[tilespmem:s8], [sflag:$0x1] =	stream.indirect_vreg.gather [hbm4b:s3+s2], $0x80, v4, vm0, $0xb8;
	[tilespmem:$0xC100] =	vst v63  }
0x25: {  	s1 =	rddreg [dreg:$0x7];
	v3 =	vadd.s32 v1, v3  }
0x26: {  	[tilespmem:s1], [sflag:$0x1] =	stream.indirect_vreg.gather [hbm4b:s4+s2], $0x80, v4, vm0, $0xb8;
	[tilespmem:$0xC100] =	vst v63  }
0x27: {  	s9 =	rddreg [dreg:$0x8]  }
0x28: {  	[tilespmem:s9], [sflag:$0x1] =	stream.indirect_vreg.gather [hbm4b:s5+s2], $0x80, v4, vm0, $0xb8;
	[tilespmem:$0xC100] =	vst v63  }
0x29: {  	s1 =	rddreg [dreg:$0x9]  }
0x2a: {  	[tilespmem:s1], [sflag:$0x1] =	stream.indirect_vreg.gather [hbm4b:s3+s2], $0x80, v3, vm0, $0xb8;
	[tilespmem:$0xC100] =	vst v63  }
0x2b: {  	s9 =	rddreg [dreg:$0xa]  }
0x2c: {  	[tilespmem:s9], [sflag:$0x1] =	stream.indirect_vreg.gather [hbm4b:s4+s2], $0x80, v3, vm0, $0xb8;
	[tilespmem:$0xC100] =	vst v63  }
0x2d: {  	s1 =	rddreg [dreg:$0xb]  }
0x2e: {  	[tilespmem:s1], [sflag:$0x1] =	stream.indirect_vreg.gather [hbm4b:s5+s2], $0x80, v3, vm0, $0xb8;
	[tilespmem:$0xC100] =	vst v63  }
0x2f: {  	v3 =	vld [tilespmem:$0x10];
	_ =	sdelay $0x4  }
0x30: {  	v61 =	vshrl.u32 v3, $0x3  }
0x31: {  	v4 =	vmul.u32 $0x30, v61  }
0x32: {  	v3 =	vand.u32 $0x7, v3  }
0x33: {  	v3 =	vor.u32 v3, v4  }
0x34: {  	v4 =	vperm.xlane v3, v0;
	_ =	sdelay $0x1  }
0x35: {  	v4 =	vadd.s32 v1, v4;
	_ =	sdelay $0x3  }
0x36: {  	s9 =	simm.s32 $0x3100;
	v3 =	vperm.xlane v3, v2  }
0x37: {  	[tilespmem:s9], [sflag:$0x1] =	stream.indirect_vreg.gather [hbm4b:s3+s2], $0x80, v4, vm0, $0xb8;
	[tilespmem:$0xC100] =	vst v63  }
0x38: {  	v3 =	vadd.s32 v1, v3  }
0x39: {  	[tilespmem:s10], [sflag:$0x1] =	stream.indirect_vreg.gather [hbm4b:s4+s2], $0x80, v4, vm0, $0xb8;
	[tilespmem:$0xC100] =	vst v63  }
0x3a: {  	_ = 	snop  }
0x3b: {  	[tilespmem:s11], [sflag:$0x1] =	stream.indirect_vreg.gather [hbm4b:s5+s2], $0x80, v4, vm0, $0xb8;
	[tilespmem:$0xC100] =	vst v63  }
0x3c: {  	_ = 	snop  }
0x3d: {  	[tilespmem:s12], [sflag:$0x1] =	stream.indirect_vreg.gather [hbm4b:s3+s2], $0x80, v3, vm0, $0xb8;
	[tilespmem:$0xC100] =	vst v63  }
0x3e: {  	_ = 	snop  }
0x3f: {  	[tilespmem:s13], [sflag:$0x1] =	stream.indirect_vreg.gather [hbm4b:s4+s2], $0x80, v3, vm0, $0xb8;
	[tilespmem:$0xC100] =	vst v63  }
0x40: {  	_ = 	snop  }
0x41: {  	[tilespmem:s14], [sflag:$0x1] =	stream.indirect_vreg.gather [hbm4b:s5+s2], $0x80, v3, vm0, $0xb8;
	[tilespmem:$0xC100] =	vst v63  }
0x42: {  	s9 =	rddreg [dreg:$0x4]  }
0x43: {  	[tilespmem:s15], [sflag:$0x5] =	stream.linear.gather [hbm4b:s9+s2], $0x20, $0x38;
	[tilespmem:$0xC100] =	vst v63  }
0x44: {  	_ =	swait.ge [sflag:s7], $0x20  }
0x45: {  	[sflag:s7] =	ssyncset.done $0x0  }
0x46: {  	[sflag:s7] =	ssyncadd.s32 $0xFFFFFFE0  }
0x47: {  	v3 =	vld [tilespmem:$0x80];
	_ =	sdelay $0x4  }
0x48: {  	v62 =	vshrl.u32 v3, $0x3  }
0x49: {  	v4 =	vmul.u32 $0x30, v62  }
0x4a: {  	v3 =	vand.u32 $0x7, v3  }
0x4b: {  	v3 =	vor.u32 v3, v4  }
0x4c: {  	v4 =	vperm.xlane v3, v0;
	_ =	sdelay $0x1  }
0x4d: {  	v4 =	vadd.s32 v1, v4;
	_ =	sdelay $0x3  }
0x4e: {  	v3 =	vperm.xlane v3, v2  }
0x4f: {  	[tilespmem:s16], [sflag:$0x2] =	stream.indirect_vreg.gather [hbm4b:s3+s2], $0x80, v4, vm0, $0xb8;
	[tilespmem:$0xC100] =	vst v63  }
0x50: {  	v3 =	vadd.s32 v1, v3  }
0x51: {  	[tilespmem:s17], [sflag:$0x2] =	stream.indirect_vreg.gather [hbm4b:s4+s2], $0x80, v4, vm0, $0xb8;
	[tilespmem:$0xC100] =	vst v63  }
0x52: {  	_ = 	snop  }
0x53: {  	[tilespmem:s18], [sflag:$0x2] =	stream.indirect_vreg.gather [hbm4b:s5+s2], $0x80, v4, vm0, $0xb8;
	[tilespmem:$0xC100] =	vst v63  }
0x54: {  	_ = 	snop  }
0x55: {  	[tilespmem:s19], [sflag:$0x2] =	stream.indirect_vreg.gather [hbm4b:s3+s2], $0x80, v3, vm0, $0xb8;
	[tilespmem:$0xC100] =	vst v63  }
0x56: {  	_ = 	snop  }
0x57: {  	[tilespmem:s20], [sflag:$0x2] =	stream.indirect_vreg.gather [hbm4b:s4+s2], $0x80, v3, vm0, $0xb8;
	[tilespmem:$0xC100] =	vst v63  }
0x58: {  	_ = 	snop  }
0x59: {  	[tilespmem:s21], [sflag:$0x2] =	stream.indirect_vreg.gather [hbm4b:s5+s2], $0x80, v3, vm0, $0xb8;
	[tilespmem:$0xC100] =	vst v63  }
0x5a: {  	v3 =	vld [tilespmem:$0x90];
	_ =	sdelay $0x4  }
0x5b: {  	v63 =	vshrl.u32 v3, $0x3  }
0x5c: {  	v4 =	vmul.u32 $0x30, v63  }
0x5d: {  	v3 =	vand.u32 $0x7, v3  }
0x5e: {  	v3 =	vor.u32 v3, v4  }
0x5f: {  	v4 =	vperm.xlane v3, v0;
	_ =	sdelay $0x1  }
0x60: {  	v4 =	vadd.s32 v1, v4;
	_ =	sdelay $0x3  }
0x61: {  	v3 =	vperm.xlane v3, v2  }
0x62: {  	[tilespmem:s22], [sflag:$0x2] =	stream.indirect_vreg.gather [hbm4b:s3+s2], $0x80, v4, vm0, $0xb8;
	[tilespmem:$0xC100] =	vst v63  }
0x63: {  	v3 =	vadd.s32 v1, v3  }
0x64: {  	[tilespmem:s23], [sflag:$0x2] =	stream.indirect_vreg.gather [hbm4b:s4+s2], $0x80, v4, vm0, $0xb8;
	[tilespmem:$0xC100] =	vst v63  }
0x65: {  	_ = 	snop  }
0x66: {  	[tilespmem:s24], [sflag:$0x2] =	stream.indirect_vreg.gather [hbm4b:s5+s2], $0x80, v4, vm0, $0xb8;
	[tilespmem:$0xC100] =	vst v63  }
0x67: {  	_ = 	snop  }
0x68: {  	[tilespmem:s25], [sflag:$0x2] =	stream.indirect_vreg.gather [hbm4b:s3+s2], $0x80, v3, vm0, $0xb8;
	[tilespmem:$0xC100] =	vst v63  }
0x69: {  	_ = 	snop  }
0x6a: {  	[tilespmem:s26], [sflag:$0x2] =	stream.indirect_vreg.gather [hbm4b:s4+s2], $0x80, v3, vm0, $0xb8;
	[tilespmem:$0xC100] =	vst v63  }
0x6b: {  	_ = 	snop  }
0x6c: {  	[tilespmem:s28], [sflag:$0x2] =	stream.indirect_vreg.gather [hbm4b:s5+s2], $0x80, v3, vm0, $0xb8;
	[tilespmem:$0xC100] =	vst v63  }
0x6d: {  	_ =	swait.ge [sflag:s29], $0x6000  }
0x6e: {  	[sflag:s29] =	ssyncset.done $0x0  }
0x6f: {  	s9 =	rddreg [dreg:$0x5];
	[sflag:s29] =	ssyncadd.s32 $0xFFFFA000  }
0x70: {  	[hbm4b:s9+s2] =	stream.linear.scatter [tilespmem:s8], [sflag:$0x3], $0x6000, $0x38;
	[tilespmem:$0xC100] =	vst v63  }
0x71: {  	_ =	swait.ge [sflag:s30], $0x6000  }
0x72: {  	[sflag:s30] =	ssyncset.done $0x0  }
0x73: {  	s9 =	rddreg [dreg:$0x6];
	[sflag:s30] =	ssyncadd.s32 $0xFFFFA000  }
0x74: {  	[hbm4b:s9+s2] =	stream.linear.scatter [tilespmem:s16], [sflag:$0x4], $0x6000, $0x38;
	[tilespmem:$0xC100] =	vst v63  }
0x75: {  	p0 =	sne.s32 s6, $0x1;
	_ =	swait.ge [sflag:s31], $0x6000  }
.Ltmp0:
0x76: {  	[sflag:s31] =	ssyncset.done $0x0;
	(pc) =	sbr.rel @p0 .LBB2_1-.Ltmp0, $4  }
0x77: {  	[sflag:s31] =	ssyncadd.s32 $0xFFFFA000  }
0x78: {  	_ =	swait.ge [sflag:s0], $0x6000  }
0x79: {  	[sflag:s0] =	ssyncset.done $0x0  }
0x7a: {  	s6 =	sadd.s32 $0xFFFFFFFF, s6;
	[sflag:s0] =	ssyncadd.s32 $0xFFFFA000  }
0x7b: {  	_ =	sfence.sel $0x180000  }
0x7c: {  	[bflag:$0x0] =	sbarrier.arrive $0xFFFF  }
0x7d: {  	_ =	strace $0x9000004A  }
0x7e: {  	s0 =	stileid.u32;
	[bflag:$0x2] =	sbarrier.arrive $0xFFFF  }
0x7f: {  	p0 =	sne.s32 s0, $0x0;
	s0 =	rddreg [dreg:$0x2]  }
0x80: {  	s0 =	sadd.s32 @!p0 $0x100000, s0  }
0x81: {  	[sflag:s0] =	ssyncadd.tile.s32 @!p0 $0x1;
	_ =	shalt  }
.Lfunc_end2:
_tile_overlayer_lowered:
.L_overlay_start_2:
0x82: {  	(tag) =	ssettag $0x2  }
0x83: {  	s0 =	rddreg [dreg:$0x0];
	s2 =	stileid.u32  }
0x84: {  	s1 =	rddreg [dreg:$0x1];
	p0 =	sne.s32 s2, $0x0  }
0x85: {  	s3 =	rddreg [dreg:$0x2];
	[bflag:$0x3] =	sbarrier.arrive $0xFFFF;
	s2 =	simm.s32 @!p0 $0x1C05  }
0x86: {  	[timem:s3], [sflag:s2] =	dma.local @!p0 [hbm:s0], s1  }
0x87: {  	s0 =	simm.s32 @!p0 $0x5  }
0x88: {  	_ =	swait.ge @!p0 [sflag:s0], s1  }
0x89: {  	s1 =	ssub.s32 @!p0 $0x0, s1;
	[sflag:s0] =	ssyncset.done @!p0 $0x0  }
0x8a: {  	[sflag:s0] =	ssyncadd.s32 @!p0 s1  }
0x8b: {  	[bflag:$0x3] =	sbarrier.arrive $0xFFFF  }
0x8c: {  	_ =	shalt  }

</sc_bundles>
